<compile_context>
chip_gen: v7x
topology: tpu7x:2x2x1
jax: 0.10.2.dev20260603
libtpu: 0.0.44.dev20260713+nightly
codegen_flags: <defaults>
</compile_context>

<pallas_src>
import functools

import jax
import jax.numpy as jnp
from jax import lax
from jax.experimental import pallas as pl
from jax.experimental.pallas import tpu as pltpu
from jax.experimental.pallas import tpu_sc as plsc

NC = 2
NS = 16
NW = NC * NS

VOCAB = 1_000_000
D = 64
DP = 128
N = 16384
K = 50
KP = 56
NP = N // NW
NBUF = 8
G = NP // NBUF
R = 2
STEADY = (G - R) // R


@functools.partial(
    pl.kernel,
    mesh=plsc.VectorSubcoreMesh(core_axis_name="c", subcore_axis_name="s"),
    out_type=jax.ShapeDtypeStruct((N, KP, DP), jnp.float32),
    scratch_types=[
        pltpu.VMEM((NP, K), jnp.int32),
        pltpu.VMEM((R, NBUF, K, DP), jnp.float32),
        pltpu.SemaphoreType.DMA,
        pltpu.SemaphoreType.DMA,
    ],
    compiler_params=pltpu.CompilerParams(use_tc_tiling_on_sc=False),
)
def _gather_kernel(table_hbm, idx_hbm, out_hbm, idx_v, bufs, gsem, wsem):
    wid = lax.axis_index("s") * NC + lax.axis_index("c")
    i0 = wid * NP

    pltpu.sync_copy(idx_hbm.at[pl.ds(i0, NP)], idx_v)

    def fire_gathers(g, r):
        for b in range(NBUF):
            pltpu.async_copy(
                table_hbm.at[idx_v.at[g * NBUF + b]],
                bufs.at[r, b],
                gsem,
            )

    def wait_gathers(r):
        for b in range(NBUF):
            pltpu.make_async_copy(
                table_hbm.at[idx_v.at[0]], bufs.at[r, b], gsem
            ).wait()

    def fire_write(g, r):
        pltpu.async_copy(
            bufs.at[r],
            out_hbm.at[pl.ds(i0 + g * NBUF, NBUF), pl.ds(0, K)],
            wsem,
        )

    def wait_write(r):
        pltpu.make_async_copy(
            bufs.at[r],
            out_hbm.at[pl.ds(i0, NBUF), pl.ds(0, K)],
            wsem,
        ).wait()

    for r in range(R):
        fire_gathers(r, r)

    def body(i, carry):
        g0 = i * R
        for r in range(R):
            wait_gathers(r)
            fire_write(g0 + r, r)
        for r in range(R):
            wait_write(r)
            fire_gathers(g0 + R + r, r)
        return carry

    lax.fori_loop(0, STEADY, body, 0)

    g0 = STEADY * R
    for r in range(R):
        wait_gathers(r)
        fire_write(g0 + r, r)
    for r in range(R):
        wait_write(r)


def kernel(plan_ids, weight):
    w2 = jnp.pad(weight, ((0, 0), (0, DP - D)))
    out_padded = _gather_kernel(w2, plan_ids.astype(jnp.int32))
    return out_padded[:, :K, :D]

# --- scband reference (transcript-rebuilt; emitter-appended) ---
"""Pipeline reference for scband-replay-plan-embedding-85375359909925 (READ-ONLY COPY).

The authoritative reference and input builder live on the scoring server;
editing this copy changes nothing except your own understanding.
"""

import jax, jax.numpy as jnp
import numpy as np

VOCAB_SIZE = 1000000
HIDDEN_SIZE = 64

def setup_inputs(seed: int = 0) -> dict:
    key = jax.random.key(seed)
    k1, _ = jax.random.split(key)
    plan_ids = jax.random.randint(k1, (16384, 50), 0, VOCAB_SIZE, dtype=jnp.int64 if jax.config.jax_enable_x64 else jnp.int32)
    # Module zero-initializes the embedding table (nn.init.zeros_)
    weight = jnp.zeros((VOCAB_SIZE, HIDDEN_SIZE), dtype=jnp.float32)
    return {"plan_ids": plan_ids, "weight": weight}

def reference(plan_ids, weight):
    # nn.Embedding forward: gather rows of the table
    return jnp.take(weight, plan_ids, axis=0)

if __name__ == "__main__":
    import jax
    _d = setup_inputs()
    print(jax.jit(kernel)(*tuple(_d.values())))

</pallas_src>

<mosaic_0001>
#map = affine_map<(d0, d1) -> (0, 0)>
#map1 = affine_map<(d0, d1) -> (0, 0, 0)>
module attributes {stable_mosaic.version = 14 : i64} {
  func.func @_gather_kernel(%arg0: i32, %arg1: i32, %arg2: memref<1000000x128xf32, #tpu.memory_space<hbm>>, %arg3: memref<16384x50xi32, #tpu.memory_space<hbm>>, %arg4: memref<16384x56x128xf32, #tpu.memory_space<hbm>>, %arg5: memref<512x50xi32, #tpu.memory_space<vmem>>, %arg6: memref<2x8x50x128xf32, #tpu.memory_space<vmem>>, %arg7: memref<!tpu.dma_semaphore, #tpu.memory_space<semaphore_mem>>, %arg8: memref<!tpu.dma_semaphore, #tpu.memory_space<semaphore_mem>>) attributes {dimension_semantics = [#tpu.dimension_semantics<core_parallel>, #tpu.dimension_semantics<subcore_parallel>], iteration_bounds = array<i64: 2, 16>, scalar_prefetch = 0 : i64, scratch_operands = 4 : i64, tpu.core_type = #tpu.core_type<sc_vector_subcore>, window_params = [{transform_indices = #map}, {transform_indices = #map}, {transform_indices = #map1}]} {
    %mul3A = arith.constant 2 : i32
    %mul3A_0 = arith.muli %arg1, %mul3A : i32
    %add3A = arith.addi %mul3A_0, %arg0 : i32
    %mul3A_1 = arith.constant 512 : i32
    %mul3A_2 = arith.muli %add3A, %mul3A_1 : i32
    "tpu.region"() ({
      %run_scoped3A = tpu.sem_alloc : memref<!tpu.dma_semaphore, #tpu.memory_space<semaphore_mem>>
      %dma_start3A_494 = arith.constant 0 : i32
      %dma_start3A_495 = tpu.memref_slice %arg3[%mul3A_2, %dma_start3A_494] : memref<16384x50xi32, #tpu.memory_space<hbm>> -> memref<512x50xi32, #tpu.memory_space<hbm>>
      %dma_start3A_496 = arith.constant 0 : i32
      %dma_start3A_497 = tpu.memref_slice %arg3[%mul3A_2, %dma_start3A_496] : memref<16384x50xi32, #tpu.memory_space<hbm>> -> memref<512x50xi32, #tpu.memory_space<hbm>>
      tpu.enqueue_dma source(%dma_start3A_497 : memref<512x50xi32, #tpu.memory_space<hbm>>) target(%arg5 : memref<512x50xi32, #tpu.memory_space<vmem>>) target_semaphore(%run_scoped3A : memref<!tpu.dma_semaphore, #tpu.memory_space<semaphore_mem>>)
      %dma_wait3A_498 = arith.constant 0 : i32
      %dma_wait3A_499 = tpu.memref_slice %arg3[%mul3A_2, %dma_wait3A_498] : memref<16384x50xi32, #tpu.memory_space<hbm>> -> memref<512x50xi32, #tpu.memory_space<hbm>>
      %dma_wait3A_500 = arith.constant 0 : i32
      %dma_wait3A_501 = tpu.memref_slice %arg3[%mul3A_2, %dma_wait3A_500] : memref<16384x50xi32, #tpu.memory_space<hbm>> -> memref<512x50xi32, #tpu.memory_space<hbm>>
      tpu.wait_dma2 semaphore(%run_scoped3A : memref<!tpu.dma_semaphore, #tpu.memory_space<semaphore_mem>>) src(%dma_wait3A_501 : memref<512x50xi32, #tpu.memory_space<hbm>>) dst(%arg5 : memref<512x50xi32, #tpu.memory_space<vmem>>)
      tpu.yield
    }) : () -> ()
    %dma_start3A = arith.constant 0 : i32
    %dma_start3A_3 = arith.constant 0 : i32
    %dma_start3A_4 = arith.constant 0 : i32
    %dma_start3A_5 = arith.constant 0 : i32
    %dma_start3A_6 = arith.constant 0 : i32
    %dma_start3A_7 = tpu.memref_slice %arg6[%dma_start3A_3, %dma_start3A_4, %dma_start3A_5, %dma_start3A_6] : memref<2x8x50x128xf32, #tpu.memory_space<vmem>> -> memref<1x1x50x128xf32, #tpu.memory_space<vmem>>
    %dma_start3A_8 = tpu.memref_squeeze %dma_start3A_7 : memref<1x1x50x128xf32, #tpu.memory_space<vmem>> -> memref<50x128xf32, #tpu.memory_space<vmem>>
    %dma_start3A_9 = arith.constant 0 : i32
    %dma_start3A_10 = tpu.memref_slice %arg5[%dma_start3A, %dma_start3A_9] : memref<512x50xi32, #tpu.memory_space<vmem>> -> memref<1x50xi32, #tpu.memory_space<vmem>>
    %dma_start3A_11 = tpu.memref_squeeze %dma_start3A_10 : memref<1x50xi32, #tpu.memory_space<vmem>> -> memref<50xi32, #tpu.memory_space<vmem>>
    %dma_start3A_12 = arith.constant 0 : i32
    %dma_start3A_13 = arith.constant 0 : i32
    %dma_start3A_14 = tpu.memref_slice %arg2[%dma_start3A_12, %dma_start3A_13] : memref<1000000x128xf32, #tpu.memory_space<hbm>> -> memref<1000000x128xf32, #tpu.memory_space<hbm>>
    tpu.enqueue_indirect_dma source(%dma_start3A_14 : memref<1000000x128xf32, #tpu.memory_space<hbm>>) target(%dma_start3A_8 : memref<50x128xf32, #tpu.memory_space<vmem>>) offsets(%dma_start3A_11 : memref<50xi32, #tpu.memory_space<vmem>>) semaphore(%arg7 : memref<!tpu.dma_semaphore, #tpu.memory_space<semaphore_mem>>)
    %dma_start3A_15 = arith.constant 1 : i32
    %dma_start3A_16 = arith.constant 0 : i32
    %dma_start3A_17 = arith.constant 1 : i32
    %dma_start3A_18 = arith.constant 0 : i32
    %dma_start3A_19 = arith.constant 0 : i32
    %dma_start3A_20 = tpu.memref_slice %arg6[%dma_start3A_16, %dma_start3A_17, %dma_start3A_18, %dma_start3A_19] : memref<2x8x50x128xf32, #tpu.memory_space<vmem>> -> memref<1x1x50x128xf32, #tpu.memory_space<vmem>>
    %dma_start3A_21 = tpu.memref_squeeze %dma_start3A_20 : memref<1x1x50x128xf32, #tpu.memory_space<vmem>> -> memref<50x128xf32, #tpu.memory_space<vmem>>
    %dma_start3A_22 = arith.constant 0 : i32
    %dma_start3A_23 = tpu.memref_slice %arg5[%dma_start3A_15, %dma_start3A_22] : memref<512x50xi32, #tpu.memory_space<vmem>> -> memref<1x50xi32, #tpu.memory_space<vmem>>
    %dma_start3A_24 = tpu.memref_squeeze %dma_start3A_23 : memref<1x50xi32, #tpu.memory_space<vmem>> -> memref<50xi32, #tpu.memory_space<vmem>>
    %dma_start3A_25 = arith.constant 0 : i32
    %dma_start3A_26 = arith.constant 0 : i32
    %dma_start3A_27 = tpu.memref_slice %arg2[%dma_start3A_25, %dma_start3A_26] : memref<1000000x128xf32, #tpu.memory_space<hbm>> -> memref<1000000x128xf32, #tpu.memory_space<hbm>>
    tpu.enqueue_indirect_dma source(%dma_start3A_27 : memref<1000000x128xf32, #tpu.memory_space<hbm>>) target(%dma_start3A_21 : memref<50x128xf32, #tpu.memory_space<vmem>>) offsets(%dma_start3A_24 : memref<50xi32, #tpu.memory_space<vmem>>) semaphore(%arg7 : memref<!tpu.dma_semaphore, #tpu.memory_space<semaphore_mem>>)
    %dma_start3A_28 = arith.constant 2 : i32
    %dma_start3A_29 = arith.constant 0 : i32
    %dma_start3A_30 = arith.constant 2 : i32
    %dma_start3A_31 = arith.constant 0 : i32
    %dma_start3A_32 = arith.constant 0 : i32
    %dma_start3A_33 = tpu.memref_slice %arg6[%dma_start3A_29, %dma_start3A_30, %dma_start3A_31, %dma_start3A_32] : memref<2x8x50x128xf32, #tpu.memory_space<vmem>> -> memref<1x1x50x128xf32, #tpu.memory_space<vmem>>
    %dma_start3A_34 = tpu.memref_squeeze %dma_start3A_33 : memref<1x1x50x128xf32, #tpu.memory_space<vmem>> -> memref<50x128xf32, #tpu.memory_space<vmem>>
    %dma_start3A_35 = arith.constant 0 : i32
    %dma_start3A_36 = tpu.memref_slice %arg5[%dma_start3A_28, %dma_start3A_35] : memref<512x50xi32, #tpu.memory_space<vmem>> -> memref<1x50xi32, #tpu.memory_space<vmem>>
    %dma_start3A_37 = tpu.memref_squeeze %dma_start3A_36 : memref<1x50xi32, #tpu.memory_space<vmem>> -> memref<50xi32, #tpu.memory_space<vmem>>
    %dma_start3A_38 = arith.constant 0 : i32
    %dma_start3A_39 = arith.constant 0 : i32
    %dma_start3A_40 = tpu.memref_slice %arg2[%dma_start3A_38, %dma_start3A_39] : memref<1000000x128xf32, #tpu.memory_space<hbm>> -> memref<1000000x128xf32, #tpu.memory_space<hbm>>
    tpu.enqueue_indirect_dma source(%dma_start3A_40 : memref<1000000x128xf32, #tpu.memory_space<hbm>>) target(%dma_start3A_34 : memref<50x128xf32, #tpu.memory_space<vmem>>) offsets(%dma_start3A_37 : memref<50xi32, #tpu.memory_space<vmem>>) semaphore(%arg7 : memref<!tpu.dma_semaphore, #tpu.memory_space<semaphore_mem>>)
    %dma_start3A_41 = arith.constant 3 : i32
    %dma_start3A_42 = arith.constant 0 : i32
    %dma_start3A_43 = arith.constant 3 : i32
    %dma_start3A_44 = arith.constant 0 : i32
    %dma_start3A_45 = arith.constant 0 : i32
    %dma_start3A_46 = tpu.memref_slice %arg6[%dma_start3A_42, %dma_start3A_43, %dma_start3A_44, %dma_start3A_45] : memref<2x8x50x128xf32, #tpu.memory_space<vmem>> -> memref<1x1x50x128xf32, #tpu.memory_space<vmem>>
    %dma_start3A_47 = tpu.memref_squeeze %dma_start3A_46 : memref<1x1x50x128xf32, #tpu.memory_space<vmem>> -> memref<50x128xf32, #tpu.memory_space<vmem>>
    %dma_start3A_48 = arith.constant 0 : i32
    %dma_start3A_49 = tpu.memref_slice %arg5[%dma_start3A_41, %dma_start3A_48] : memref<512x50xi32, #tpu.memory_space<vmem>> -> memref<1x50xi32, #tpu.memory_space<vmem>>
    %dma_start3A_50 = tpu.memref_squeeze %dma_start3A_49 : memref<1x50xi32, #tpu.memory_space<vmem>> -> memref<50xi32, #tpu.memory_space<vmem>>
    %dma_start3A_51 = arith.constant 0 : i32
    %dma_start3A_52 = arith.constant 0 : i32
    %dma_start3A_53 = tpu.memref_slice %arg2[%dma_start3A_51, %dma_start3A_52] : memref<1000000x128xf32, #tpu.memory_space<hbm>> -> memref<1000000x128xf32, #tpu.memory_space<hbm>>
    tpu.enqueue_indirect_dma source(%dma_start3A_53 : memref<1000000x128xf32, #tpu.memory_space<hbm>>) target(%dma_start3A_47 : memref<50x128xf32, #tpu.memory_space<vmem>>) offsets(%dma_start3A_50 : memref<50xi32, #tpu.memory_space<vmem>>) semaphore(%arg7 : memref<!tpu.dma_semaphore, #tpu.memory_space<semaphore_mem>>)
    %dma_start3A_54 = arith.constant 4 : i32
    %dma_start3A_55 = arith.constant 0 : i32
    %dma_start3A_56 = arith.constant 4 : i32
    %dma_start3A_57 = arith.constant 0 : i32
    %dma_start3A_58 = arith.constant 0 : i32
    %dma_start3A_59 = tpu.memref_slice %arg6[%dma_start3A_55, %dma_start3A_56, %dma_start3A_57, %dma_start3A_58] : memref<2x8x50x128xf32, #tpu.memory_space<vmem>> -> memref<1x1x50x128xf32, #tpu.memory_space<vmem>>
    %dma_start3A_60 = tpu.memref_squeeze %dma_start3A_59 : memref<1x1x50x128xf32, #tpu.memory_space<vmem>> -> memref<50x128xf32, #tpu.memory_space<vmem>>
    %dma_start3A_61 = arith.constant 0 : i32
    %dma_start3A_62 = tpu.memref_slice %arg5[%dma_start3A_54, %dma_start3A_61] : memref<512x50xi32, #tpu.memory_space<vmem>> -> memref<1x50xi32, #tpu.memory_space<vmem>>
    %dma_start3A_63 = tpu.memref_squeeze %dma_start3A_62 : memref<1x50xi32, #tpu.memory_space<vmem>> -> memref<50xi32, #tpu.memory_space<vmem>>
    %dma_start3A_64 = arith.constant 0 : i32
    %dma_start3A_65 = arith.constant 0 : i32
    %dma_start3A_66 = tpu.memref_slice %arg2[%dma_start3A_64, %dma_start3A_65] : memref<1000000x128xf32, #tpu.memory_space<hbm>> -> memref<1000000x128xf32, #tpu.memory_space<hbm>>
    tpu.enqueue_indirect_dma source(%dma_start3A_66 : memref<1000000x128xf32, #tpu.memory_space<hbm>>) target(%dma_start3A_60 : memref<50x128xf32, #tpu.memory_space<vmem>>) offsets(%dma_start3A_63 : memref<50xi32, #tpu.memory_space<vmem>>) semaphore(%arg7 : memref<!tpu.dma_semaphore, #tpu.memory_space<semaphore_mem>>)
    %dma_start3A_67 = arith.constant 5 : i32
    %dma_start3A_68 = arith.constant 0 : i32
    %dma_start3A_69 = arith.constant 5 : i32
    %dma_start3A_70 = arith.constant 0 : i32
    %dma_start3A_71 = arith.constant 0 : i32
    %dma_start3A_72 = tpu.memref_slice %arg6[%dma_start3A_68, %dma_start3A_69, %dma_start3A_70, %dma_start3A_71] : memref<2x8x50x128xf32, #tpu.memory_space<vmem>> -> memref<1x1x50x128xf32, #tpu.memory_space<vmem>>
    %dma_start3A_73 = tpu.memref_squeeze %dma_start3A_72 : memref<1x1x50x128xf32, #tpu.memory_space<vmem>> -> memref<50x128xf32, #tpu.memory_space<vmem>>
    %dma_start3A_74 = arith.constant 0 : i32
    %dma_start3A_75 = tpu.memref_slice %arg5[%dma_start3A_67, %dma_start3A_74] : memref<512x50xi32, #tpu.memory_space<vmem>> -> memref<1x50xi32, #tpu.memory_space<vmem>>
    %dma_start3A_76 = tpu.memref_squeeze %dma_start3A_75 : memref<1x50xi32, #tpu.memory_space<vmem>> -> memref<50xi32, #tpu.memory_space<vmem>>
    %dma_start3A_77 = arith.constant 0 : i32
    %dma_start3A_78 = arith.constant 0 : i32
    %dma_start3A_79 = tpu.memref_slice %arg2[%dma_start3A_77, %dma_start3A_78] : memref<1000000x128xf32, #tpu.memory_space<hbm>> -> memref<1000000x128xf32, #tpu.memory_space<hbm>>
    tpu.enqueue_indirect_dma source(%dma_start3A_79 : memref<1000000x128xf32, #tpu.memory_space<hbm>>) target(%dma_start3A_73 : memref<50x128xf32, #tpu.memory_space<vmem>>) offsets(%dma_start3A_76 : memref<50xi32, #tpu.memory_space<vmem>>) semaphore(%arg7 : memref<!tpu.dma_semaphore, #tpu.memory_space<semaphore_mem>>)
    %dma_start3A_80 = arith.constant 6 : i32
    %dma_start3A_81 = arith.constant 0 : i32
    %dma_start3A_82 = arith.constant 6 : i32
    %dma_start3A_83 = arith.constant 0 : i32
    %dma_start3A_84 = arith.constant 0 : i32
    %dma_start3A_85 = tpu.memref_slice %arg6[%dma_start3A_81, %dma_start3A_82, %dma_start3A_83, %dma_start3A_84] : memref<2x8x50x128xf32, #tpu.memory_space<vmem>> -> memref<1x1x50x128xf32, #tpu.memory_space<vmem>>
    %dma_start3A_86 = tpu.memref_squeeze %dma_start3A_85 : memref<1x1x50x128xf32, #tpu.memory_space<vmem>> -> memref<50x128xf32, #tpu.memory_space<vmem>>
    %dma_start3A_87 = arith.constant 0 : i32
    %dma_start3A_88 = tpu.memref_slice %arg5[%dma_start3A_80, %dma_start3A_87] : memref<512x50xi32, #tpu.memory_space<vmem>> -> memref<1x50xi32, #tpu.memory_space<vmem>>
    %dma_start3A_89 = tpu.memref_squeeze %dma_start3A_88 : memref<1x50xi32, #tpu.memory_space<vmem>> -> memref<50xi32, #tpu.memory_space<vmem>>
    %dma_start3A_90 = arith.constant 0 : i32
    %dma_start3A_91 = arith.constant 0 : i32
    %dma_start3A_92 = tpu.memref_slice %arg2[%dma_start3A_90, %dma_start3A_91] : memref<1000000x128xf32, #tpu.memory_space<hbm>> -> memref<1000000x128xf32, #tpu.memory_space<hbm>>
    tpu.enqueue_indirect_dma source(%dma_start3A_92 : memref<1000000x128xf32, #tpu.memory_space<hbm>>) target(%dma_start3A_86 : memref<50x128xf32, #tpu.memory_space<vmem>>) offsets(%dma_start3A_89 : memref<50xi32, #tpu.memory_space<vmem>>) semaphore(%arg7 : memref<!tpu.dma_semaphore, #tpu.memory_space<semaphore_mem>>)
    %dma_start3A_93 = arith.constant 7 : i32
    %dma_start3A_94 = arith.constant 0 : i32
    %dma_start3A_95 = arith.constant 7 : i32
    %dma_start3A_96 = arith.constant 0 : i32
    %dma_start3A_97 = arith.constant 0 : i32
    %dma_start3A_98 = tpu.memref_slice %arg6[%dma_start3A_94, %dma_start3A_95, %dma_start3A_96, %dma_start3A_97] : memref<2x8x50x128xf32, #tpu.memory_space<vmem>> -> memref<1x1x50x128xf32, #tpu.memory_space<vmem>>
    %dma_start3A_99 = tpu.memref_squeeze %dma_start3A_98 : memref<1x1x50x128xf32, #tpu.memory_space<vmem>> -> memref<50x128xf32, #tpu.memory_space<vmem>>
    %dma_start3A_100 = arith.constant 0 : i32
    %dma_start3A_101 = tpu.memref_slice %arg5[%dma_start3A_93, %dma_start3A_100] : memref<512x50xi32, #tpu.memory_space<vmem>> -> memref<1x50xi32, #tpu.memory_space<vmem>>
    %dma_start3A_102 = tpu.memref_squeeze %dma_start3A_101 : memref<1x50xi32, #tpu.memory_space<vmem>> -> memref<50xi32, #tpu.memory_space<vmem>>
    %dma_start3A_103 = arith.constant 0 : i32
    %dma_start3A_104 = arith.constant 0 : i32
    %dma_start3A_105 = tpu.memref_slice %arg2[%dma_start3A_103, %dma_start3A_104] : memref<1000000x128xf32, #tpu.memory_space<hbm>> -> memref<1000000x128xf32, #tpu.memory_space<hbm>>
    tpu.enqueue_indirect_dma source(%dma_start3A_105 : memref<1000000x128xf32, #tpu.memory_space<hbm>>) target(%dma_start3A_99 : memref<50x128xf32, #tpu.memory_space<vmem>>) offsets(%dma_start3A_102 : memref<50xi32, #tpu.memory_space<vmem>>) semaphore(%arg7 : memref<!tpu.dma_semaphore, #tpu.memory_space<semaphore_mem>>)
    %dma_start3A_106 = arith.constant 8 : i32
    %dma_start3A_107 = arith.constant 1 : i32
    %dma_start3A_108 = arith.constant 0 : i32
    %dma_start3A_109 = arith.constant 0 : i32
    %dma_start3A_110 = arith.constant 0 : i32
    %dma_start3A_111 = tpu.memref_slice %arg6[%dma_start3A_107, %dma_start3A_108, %dma_start3A_109, %dma_start3A_110] : memref<2x8x50x128xf32, #tpu.memory_space<vmem>> -> memref<1x1x50x128xf32, #tpu.memory_space<vmem>>
    %dma_start3A_112 = tpu.memref_squeeze %dma_start3A_111 : memref<1x1x50x128xf32, #tpu.memory_space<vmem>> -> memref<50x128xf32, #tpu.memory_space<vmem>>
    %dma_start3A_113 = arith.constant 0 : i32
    %dma_start3A_114 = tpu.memref_slice %arg5[%dma_start3A_106, %dma_start3A_113] : memref<512x50xi32, #tpu.memory_space<vmem>> -> memref<1x50xi32, #tpu.memory_space<vmem>>
    %dma_start3A_115 = tpu.memref_squeeze %dma_start3A_114 : memref<1x50xi32, #tpu.memory_space<vmem>> -> memref<50xi32, #tpu.memory_space<vmem>>
    %dma_start3A_116 = arith.constant 0 : i32
    %dma_start3A_117 = arith.constant 0 : i32
    %dma_start3A_118 = tpu.memref_slice %arg2[%dma_start3A_116, %dma_start3A_117] : memref<1000000x128xf32, #tpu.memory_space<hbm>> -> memref<1000000x128xf32, #tpu.memory_space<hbm>>
    tpu.enqueue_indirect_dma source(%dma_start3A_118 : memref<1000000x128xf32, #tpu.memory_space<hbm>>) target(%dma_start3A_112 : memref<50x128xf32, #tpu.memory_space<vmem>>) offsets(%dma_start3A_115 : memref<50xi32, #tpu.memory_space<vmem>>) semaphore(%arg7 : memref<!tpu.dma_semaphore, #tpu.memory_space<semaphore_mem>>)
    %dma_start3A_119 = arith.constant 9 : i32
    %dma_start3A_120 = arith.constant 1 : i32
    %dma_start3A_121 = arith.constant 1 : i32
    %dma_start3A_122 = arith.constant 0 : i32
    %dma_start3A_123 = arith.constant 0 : i32
    %dma_start3A_124 = tpu.memref_slice %arg6[%dma_start3A_120, %dma_start3A_121, %dma_start3A_122, %dma_start3A_123] : memref<2x8x50x128xf32, #tpu.memory_space<vmem>> -> memref<1x1x50x128xf32, #tpu.memory_space<vmem>>
    %dma_start3A_125 = tpu.memref_squeeze %dma_start3A_124 : memref<1x1x50x128xf32, #tpu.memory_space<vmem>> -> memref<50x128xf32, #tpu.memory_space<vmem>>
    %dma_start3A_126 = arith.constant 0 : i32
    %dma_start3A_127 = tpu.memref_slice %arg5[%dma_start3A_119, %dma_start3A_126] : memref<512x50xi32, #tpu.memory_space<vmem>> -> memref<1x50xi32, #tpu.memory_space<vmem>>
    %dma_start3A_128 = tpu.memref_squeeze %dma_start3A_127 : memref<1x50xi32, #tpu.memory_space<vmem>> -> memref<50xi32, #tpu.memory_space<vmem>>
    %dma_start3A_129 = arith.constant 0 : i32
    %dma_start3A_130 = arith.constant 0 : i32
    %dma_start3A_131 = tpu.memref_slice %arg2[%dma_start3A_129, %dma_start3A_130] : memref<1000000x128xf32, #tpu.memory_space<hbm>> -> memref<1000000x128xf32, #tpu.memory_space<hbm>>
    tpu.enqueue_indirect_dma source(%dma_start3A_131 : memref<1000000x128xf32, #tpu.memory_space<hbm>>) target(%dma_start3A_125 : memref<50x128xf32, #tpu.memory_space<vmem>>) offsets(%dma_start3A_128 : memref<50xi32, #tpu.memory_space<vmem>>) semaphore(%arg7 : memref<!tpu.dma_semaphore, #tpu.memory_space<semaphore_mem>>)
    %dma_start3A_132 = arith.constant 10 : i32
    %dma_start3A_133 = arith.constant 1 : i32
    %dma_start3A_134 = arith.constant 2 : i32
    %dma_start3A_135 = arith.constant 0 : i32
    %dma_start3A_136 = arith.constant 0 : i32
    %dma_start3A_137 = tpu.memref_slice %arg6[%dma_start3A_133, %dma_start3A_134, %dma_start3A_135, %dma_start3A_136] : memref<2x8x50x128xf32, #tpu.memory_space<vmem>> -> memref<1x1x50x128xf32, #tpu.memory_space<vmem>>
    %dma_start3A_138 = tpu.memref_squeeze %dma_start3A_137 : memref<1x1x50x128xf32, #tpu.memory_space<vmem>> -> memref<50x128xf32, #tpu.memory_space<vmem>>
    %dma_start3A_139 = arith.constant 0 : i32
    %dma_start3A_140 = tpu.memref_slice %arg5[%dma_start3A_132, %dma_start3A_139] : memref<512x50xi32, #tpu.memory_space<vmem>> -> memref<1x50xi32, #tpu.memory_space<vmem>>
    %dma_start3A_141 = tpu.memref_squeeze %dma_start3A_140 : memref<1x50xi32, #tpu.memory_space<vmem>> -> memref<50xi32, #tpu.memory_space<vmem>>
    %dma_start3A_142 = arith.constant 0 : i32
    %dma_start3A_143 = arith.constant 0 : i32
    %dma_start3A_144 = tpu.memref_slice %arg2[%dma_start3A_142, %dma_start3A_143] : memref<1000000x128xf32, #tpu.memory_space<hbm>> -> memref<1000000x128xf32, #tpu.memory_space<hbm>>
    tpu.enqueue_indirect_dma source(%dma_start3A_144 : memref<1000000x128xf32, #tpu.memory_space<hbm>>) target(%dma_start3A_138 : memref<50x128xf32, #tpu.memory_space<vmem>>) offsets(%dma_start3A_141 : memref<50xi32, #tpu.memory_space<vmem>>) semaphore(%arg7 : memref<!tpu.dma_semaphore, #tpu.memory_space<semaphore_mem>>)
    %dma_start3A_145 = arith.constant 11 : i32
    %dma_start3A_146 = arith.constant 1 : i32
    %dma_start3A_147 = arith.constant 3 : i32
    %dma_start3A_148 = arith.constant 0 : i32
    %dma_start3A_149 = arith.constant 0 : i32
    %dma_start3A_150 = tpu.memref_slice %arg6[%dma_start3A_146, %dma_start3A_147, %dma_start3A_148, %dma_start3A_149] : memref<2x8x50x128xf32, #tpu.memory_space<vmem>> -> memref<1x1x50x128xf32, #tpu.memory_space<vmem>>
    %dma_start3A_151 = tpu.memref_squeeze %dma_start3A_150 : memref<1x1x50x128xf32, #tpu.memory_space<vmem>> -> memref<50x128xf32, #tpu.memory_space<vmem>>
    %dma_start3A_152 = arith.constant 0 : i32
    %dma_start3A_153 = tpu.memref_slice %arg5[%dma_start3A_145, %dma_start3A_152] : memref<512x50xi32, #tpu.memory_space<vmem>> -> memref<1x50xi32, #tpu.memory_space<vmem>>
    %dma_start3A_154 = tpu.memref_squeeze %dma_start3A_153 : memref<1x50xi32, #tpu.memory_space<vmem>> -> memref<50xi32, #tpu.memory_space<vmem>>
    %dma_start3A_155 = arith.constant 0 : i32
    %dma_start3A_156 = arith.constant 0 : i32
    %dma_start3A_157 = tpu.memref_slice %arg2[%dma_start3A_155, %dma_start3A_156] : memref<1000000x128xf32, #tpu.memory_space<hbm>> -> memref<1000000x128xf32, #tpu.memory_space<hbm>>
    tpu.enqueue_indirect_dma source(%dma_start3A_157 : memref<1000000x128xf32, #tpu.memory_space<hbm>>) target(%dma_start3A_151 : memref<50x128xf32, #tpu.memory_space<vmem>>) offsets(%dma_start3A_154 : memref<50xi32, #tpu.memory_space<vmem>>) semaphore(%arg7 : memref<!tpu.dma_semaphore, #tpu.memory_space<semaphore_mem>>)
    %dma_start3A_158 = arith.constant 12 : i32
    %dma_start3A_159 = arith.constant 1 : i32
    %dma_start3A_160 = arith.constant 4 : i32
    %dma_start3A_161 = arith.constant 0 : i32
    %dma_start3A_162 = arith.constant 0 : i32
    %dma_start3A_163 = tpu.memref_slice %arg6[%dma_start3A_159, %dma_start3A_160, %dma_start3A_161, %dma_start3A_162] : memref<2x8x50x128xf32, #tpu.memory_space<vmem>> -> memref<1x1x50x128xf32, #tpu.memory_space<vmem>>
    %dma_start3A_164 = tpu.memref_squeeze %dma_start3A_163 : memref<1x1x50x128xf32, #tpu.memory_space<vmem>> -> memref<50x128xf32, #tpu.memory_space<vmem>>
    %dma_start3A_165 = arith.constant 0 : i32
    %dma_start3A_166 = tpu.memref_slice %arg5[%dma_start3A_158, %dma_start3A_165] : memref<512x50xi32, #tpu.memory_space<vmem>> -> memref<1x50xi32, #tpu.memory_space<vmem>>
    %dma_start3A_167 = tpu.memref_squeeze %dma_start3A_166 : memref<1x50xi32, #tpu.memory_space<vmem>> -> memref<50xi32, #tpu.memory_space<vmem>>
    %dma_start3A_168 = arith.constant 0 : i32
    %dma_start3A_169 = arith.constant 0 : i32
    %dma_start3A_170 = tpu.memref_slice %arg2[%dma_start3A_168, %dma_start3A_169] : memref<1000000x128xf32, #tpu.memory_space<hbm>> -> memref<1000000x128xf32, #tpu.memory_space<hbm>>
    tpu.enqueue_indirect_dma source(%dma_start3A_170 : memref<1000000x128xf32, #tpu.memory_space<hbm>>) target(%dma_start3A_164 : memref<50x128xf32, #tpu.memory_space<vmem>>) offsets(%dma_start3A_167 : memref<50xi32, #tpu.memory_space<vmem>>) semaphore(%arg7 : memref<!tpu.dma_semaphore, #tpu.memory_space<semaphore_mem>>)
    %dma_start3A_171 = arith.constant 13 : i32
    %dma_start3A_172 = arith.constant 1 : i32
    %dma_start3A_173 = arith.constant 5 : i32
    %dma_start3A_174 = arith.constant 0 : i32
    %dma_start3A_175 = arith.constant 0 : i32
    %dma_start3A_176 = tpu.memref_slice %arg6[%dma_start3A_172, %dma_start3A_173, %dma_start3A_174, %dma_start3A_175] : memref<2x8x50x128xf32, #tpu.memory_space<vmem>> -> memref<1x1x50x128xf32, #tpu.memory_space<vmem>>
    %dma_start3A_177 = tpu.memref_squeeze %dma_start3A_176 : memref<1x1x50x128xf32, #tpu.memory_space<vmem>> -> memref<50x128xf32, #tpu.memory_space<vmem>>
    %dma_start3A_178 = arith.constant 0 : i32
    %dma_start3A_179 = tpu.memref_slice %arg5[%dma_start3A_171, %dma_start3A_178] : memref<512x50xi32, #tpu.memory_space<vmem>> -> memref<1x50xi32, #tpu.memory_space<vmem>>
    %dma_start3A_180 = tpu.memref_squeeze %dma_start3A_179 : memref<1x50xi32, #tpu.memory_space<vmem>> -> memref<50xi32, #tpu.memory_space<vmem>>
    %dma_start3A_181 = arith.constant 0 : i32
    %dma_start3A_182 = arith.constant 0 : i32
    %dma_start3A_183 = tpu.memref_slice %arg2[%dma_start3A_181, %dma_start3A_182] : memref<1000000x128xf32, #tpu.memory_space<hbm>> -> memref<1000000x128xf32, #tpu.memory_space<hbm>>
    tpu.enqueue_indirect_dma source(%dma_start3A_183 : memref<1000000x128xf32, #tpu.memory_space<hbm>>) target(%dma_start3A_177 : memref<50x128xf32, #tpu.memory_space<vmem>>) offsets(%dma_start3A_180 : memref<50xi32, #tpu.memory_space<vmem>>) semaphore(%arg7 : memref<!tpu.dma_semaphore, #tpu.memory_space<semaphore_mem>>)
    %dma_start3A_184 = arith.constant 14 : i32
    %dma_start3A_185 = arith.constant 1 : i32
    %dma_start3A_186 = arith.constant 6 : i32
    %dma_start3A_187 = arith.constant 0 : i32
    %dma_start3A_188 = arith.constant 0 : i32
    %dma_start3A_189 = tpu.memref_slice %arg6[%dma_start3A_185, %dma_start3A_186, %dma_start3A_187, %dma_start3A_188] : memref<2x8x50x128xf32, #tpu.memory_space<vmem>> -> memref<1x1x50x128xf32, #tpu.memory_space<vmem>>
    %dma_start3A_190 = tpu.memref_squeeze %dma_start3A_189 : memref<1x1x50x128xf32, #tpu.memory_space<vmem>> -> memref<50x128xf32, #tpu.memory_space<vmem>>
    %dma_start3A_191 = arith.constant 0 : i32
    %dma_start3A_192 = tpu.memref_slice %arg5[%dma_start3A_184, %dma_start3A_191] : memref<512x50xi32, #tpu.memory_space<vmem>> -> memref<1x50xi32, #tpu.memory_space<vmem>>
    %dma_start3A_193 = tpu.memref_squeeze %dma_start3A_192 : memref<1x50xi32, #tpu.memory_space<vmem>> -> memref<50xi32, #tpu.memory_space<vmem>>
    %dma_start3A_194 = arith.constant 0 : i32
    %dma_start3A_195 = arith.constant 0 : i32
    %dma_start3A_196 = tpu.memref_slice %arg2[%dma_start3A_194, %dma_start3A_195] : memref<1000000x128xf32, #tpu.memory_space<hbm>> -> memref<1000000x128xf32, #tpu.memory_space<hbm>>
    tpu.enqueue_indirect_dma source(%dma_start3A_196 : memref<1000000x128xf32, #tpu.memory_space<hbm>>) target(%dma_start3A_190 : memref<50x128xf32, #tpu.memory_space<vmem>>) offsets(%dma_start3A_193 : memref<50xi32, #tpu.memory_space<vmem>>) semaphore(%arg7 : memref<!tpu.dma_semaphore, #tpu.memory_space<semaphore_mem>>)
    %dma_start3A_197 = arith.constant 15 : i32
    %dma_start3A_198 = arith.constant 1 : i32
    %dma_start3A_199 = arith.constant 7 : i32
    %dma_start3A_200 = arith.constant 0 : i32
    %dma_start3A_201 = arith.constant 0 : i32
    %dma_start3A_202 = tpu.memref_slice %arg6[%dma_start3A_198, %dma_start3A_199, %dma_start3A_200, %dma_start3A_201] : memref<2x8x50x128xf32, #tpu.memory_space<vmem>> -> memref<1x1x50x128xf32, #tpu.memory_space<vmem>>
    %dma_start3A_203 = tpu.memref_squeeze %dma_start3A_202 : memref<1x1x50x128xf32, #tpu.memory_space<vmem>> -> memref<50x128xf32, #tpu.memory_space<vmem>>
    %dma_start3A_204 = arith.constant 0 : i32
    %dma_start3A_205 = tpu.memref_slice %arg5[%dma_start3A_197, %dma_start3A_204] : memref<512x50xi32, #tpu.memory_space<vmem>> -> memref<1x50xi32, #tpu.memory_space<vmem>>
    %dma_start3A_206 = tpu.memref_squeeze %dma_start3A_205 : memref<1x50xi32, #tpu.memory_space<vmem>> -> memref<50xi32, #tpu.memory_space<vmem>>
    %dma_start3A_207 = arith.constant 0 : i32
    %dma_start3A_208 = arith.constant 0 : i32
    %dma_start3A_209 = tpu.memref_slice %arg2[%dma_start3A_207, %dma_start3A_208] : memref<1000000x128xf32, #tpu.memory_space<hbm>> -> memref<1000000x128xf32, #tpu.memory_space<hbm>>
    tpu.enqueue_indirect_dma source(%dma_start3A_209 : memref<1000000x128xf32, #tpu.memory_space<hbm>>) target(%dma_start3A_203 : memref<50x128xf32, #tpu.memory_space<vmem>>) offsets(%dma_start3A_206 : memref<50xi32, #tpu.memory_space<vmem>>) semaphore(%arg7 : memref<!tpu.dma_semaphore, #tpu.memory_space<semaphore_mem>>)
    %scan3A = arith.constant 0 : i32
    %scan3A_210 = arith.constant 0 : i32
    %scan3A_211 = arith.constant 31 : i32
    %scan3A_212 = arith.addi %scan3A_210, %scan3A_211 : i32
    %scan3A_213 = arith.constant 1 : i32
    scf.for %scan3A_494 = %scan3A_210 to %scan3A_212 step %scan3A_213  : i32 {
      %mul3A_495 = arith.constant 2 : i32
      %mul3A_496 = arith.muli %scan3A_494, %mul3A_495 : i32
      %dma_wait3A_497 = arith.constant 0 : i32
      %dma_wait3A_498 = arith.constant 0 : i32
      %dma_wait3A_499 = arith.constant 0 : i32
      %dma_wait3A_500 = arith.constant 0 : i32
      %dma_wait3A_501 = arith.constant 0 : i32
      %dma_wait3A_502 = tpu.memref_slice %arg6[%dma_wait3A_498, %dma_wait3A_499, %dma_wait3A_500, %dma_wait3A_501] : memref<2x8x50x128xf32, #tpu.memory_space<vmem>> -> memref<1x1x50x128xf32, #tpu.memory_space<vmem>>
      %dma_wait3A_503 = tpu.memref_squeeze %dma_wait3A_502 : memref<1x1x50x128xf32, #tpu.memory_space<vmem>> -> memref<50x128xf32, #tpu.memory_space<vmem>>
      %dma_wait3A_504 = arith.constant 0 : i32
      %dma_wait3A_505 = tpu.memref_slice %arg5[%dma_wait3A_497, %dma_wait3A_504] : memref<512x50xi32, #tpu.memory_space<vmem>> -> memref<1x50xi32, #tpu.memory_space<vmem>>
      %dma_wait3A_506 = tpu.memref_squeeze %dma_wait3A_505 : memref<1x50xi32, #tpu.memory_space<vmem>> -> memref<50xi32, #tpu.memory_space<vmem>>
      %dma_wait3A_507 = arith.constant 0 : i32
      %dma_wait3A_508 = arith.constant 0 : i32
      %dma_wait3A_509 = tpu.memref_slice %arg2[%dma_wait3A_507, %dma_wait3A_508] : memref<1000000x128xf32, #tpu.memory_space<hbm>> -> memref<1000000x128xf32, #tpu.memory_space<hbm>>
      tpu.wait_indirect_dma semaphore(%arg7 : memref<!tpu.dma_semaphore, #tpu.memory_space<semaphore_mem>>) src(%dma_wait3A_509 : memref<1000000x128xf32, #tpu.memory_space<hbm>>) dst(%dma_wait3A_503 : memref<50x128xf32, #tpu.memory_space<vmem>>)
      %dma_wait3A_510 = arith.constant 0 : i32
      %dma_wait3A_511 = arith.constant 0 : i32
      %dma_wait3A_512 = arith.constant 1 : i32
      %dma_wait3A_513 = arith.constant 0 : i32
      %dma_wait3A_514 = arith.constant 0 : i32
      %dma_wait3A_515 = tpu.memref_slice %arg6[%dma_wait3A_511, %dma_wait3A_512, %dma_wait3A_513, %dma_wait3A_514] : memref<2x8x50x128xf32, #tpu.memory_space<vmem>> -> memref<1x1x50x128xf32, #tpu.memory_space<vmem>>
      %dma_wait3A_516 = tpu.memref_squeeze %dma_wait3A_515 : memref<1x1x50x128xf32, #tpu.memory_space<vmem>> -> memref<50x128xf32, #tpu.memory_space<vmem>>
      %dma_wait3A_517 = arith.constant 0 : i32
      %dma_wait3A_518 = tpu.memref_slice %arg5[%dma_wait3A_510, %dma_wait3A_517] : memref<512x50xi32, #tpu.memory_space<vmem>> -> memref<1x50xi32, #tpu.memory_space<vmem>>
      %dma_wait3A_519 = tpu.memref_squeeze %dma_wait3A_518 : memref<1x50xi32, #tpu.memory_space<vmem>> -> memref<50xi32, #tpu.memory_space<vmem>>
      %dma_wait3A_520 = arith.constant 0 : i32
      %dma_wait3A_521 = arith.constant 0 : i32
      %dma_wait3A_522 = tpu.memref_slice %arg2[%dma_wait3A_520, %dma_wait3A_521] : memref<1000000x128xf32, #tpu.memory_space<hbm>> -> memref<1000000x128xf32, #tpu.memory_space<hbm>>
      tpu.wait_indirect_dma semaphore(%arg7 : memref<!tpu.dma_semaphore, #tpu.memory_space<semaphore_mem>>) src(%dma_wait3A_522 : memref<1000000x128xf32, #tpu.memory_space<hbm>>) dst(%dma_wait3A_516 : memref<50x128xf32, #tpu.memory_space<vmem>>)
      %dma_wait3A_523 = arith.constant 0 : i32
      %dma_wait3A_524 = arith.constant 0 : i32
      %dma_wait3A_525 = arith.constant 2 : i32
      %dma_wait3A_526 = arith.constant 0 : i32
      %dma_wait3A_527 = arith.constant 0 : i32
      %dma_wait3A_528 = tpu.memref_slice %arg6[%dma_wait3A_524, %dma_wait3A_525, %dma_wait3A_526, %dma_wait3A_527] : memref<2x8x50x128xf32, #tpu.memory_space<vmem>> -> memref<1x1x50x128xf32, #tpu.memory_space<vmem>>
      %dma_wait3A_529 = tpu.memref_squeeze %dma_wait3A_528 : memref<1x1x50x128xf32, #tpu.memory_space<vmem>> -> memref<50x128xf32, #tpu.memory_space<vmem>>
      %dma_wait3A_530 = arith.constant 0 : i32
      %dma_wait3A_531 = tpu.memref_slice %arg5[%dma_wait3A_523, %dma_wait3A_530] : memref<512x50xi32, #tpu.memory_space<vmem>> -> memref<1x50xi32, #tpu.memory_space<vmem>>
      %dma_wait3A_532 = tpu.memref_squeeze %dma_wait3A_531 : memref<1x50xi32, #tpu.memory_space<vmem>> -> memref<50xi32, #tpu.memory_space<vmem>>
      %dma_wait3A_533 = arith.constant 0 : i32
      %dma_wait3A_534 = arith.constant 0 : i32
      %dma_wait3A_535 = tpu.memref_slice %arg2[%dma_wait3A_533, %dma_wait3A_534] : memref<1000000x128xf32, #tpu.memory_space<hbm>> -> memref<1000000x128xf32, #tpu.memory_space<hbm>>
      tpu.wait_indirect_dma semaphore(%arg7 : memref<!tpu.dma_semaphore, #tpu.memory_space<semaphore_mem>>) src(%dma_wait3A_535 : memref<1000000x128xf32, #tpu.memory_space<hbm>>) dst(%dma_wait3A_529 : memref<50x128xf32, #tpu.memory_space<vmem>>)
      %dma_wait3A_536 = arith.constant 0 : i32
      %dma_wait3A_537 = arith.constant 0 : i32
      %dma_wait3A_538 = arith.constant 3 : i32
      %dma_wait3A_539 = arith.constant 0 : i32
      %dma_wait3A_540 = arith.constant 0 : i32
      %dma_wait3A_541 = tpu.memref_slice %arg6[%dma_wait3A_537, %dma_wait3A_538, %dma_wait3A_539, %dma_wait3A_540] : memref<2x8x50x128xf32, #tpu.memory_space<vmem>> -> memref<1x1x50x128xf32, #tpu.memory_space<vmem>>
      %dma_wait3A_542 = tpu.memref_squeeze %dma_wait3A_541 : memref<1x1x50x128xf32, #tpu.memory_space<vmem>> -> memref<50x128xf32, #tpu.memory_space<vmem>>
      %dma_wait3A_543 = arith.constant 0 : i32
      %dma_wait3A_544 = tpu.memref_slice %arg5[%dma_wait3A_536, %dma_wait3A_543] : memref<512x50xi32, #tpu.memory_space<vmem>> -> memref<1x50xi32, #tpu.memory_space<vmem>>
      %dma_wait3A_545 = tpu.memref_squeeze %dma_wait3A_544 : memref<1x50xi32, #tpu.memory_space<vmem>> -> memref<50xi32, #tpu.memory_space<vmem>>
      %dma_wait3A_546 = arith.constant 0 : i32
      %dma_wait3A_547 = arith.constant 0 : i32
      %dma_wait3A_548 = tpu.memref_slice %arg2[%dma_wait3A_546, %dma_wait3A_547] : memref<1000000x128xf32, #tpu.memory_space<hbm>> -> memref<1000000x128xf32, #tpu.memory_space<hbm>>
      tpu.wait_indirect_dma semaphore(%arg7 : memref<!tpu.dma_semaphore, #tpu.memory_space<semaphore_mem>>) src(%dma_wait3A_548 : memref<1000000x128xf32, #tpu.memory_space<hbm>>) dst(%dma_wait3A_542 : memref<50x128xf32, #tpu.memory_space<vmem>>)
      %dma_wait3A_549 = arith.constant 0 : i32
      %dma_wait3A_550 = arith.constant 0 : i32
      %dma_wait3A_551 = arith.constant 4 : i32
      %dma_wait3A_552 = arith.constant 0 : i32
      %dma_wait3A_553 = arith.constant 0 : i32
      %dma_wait3A_554 = tpu.memref_slice %arg6[%dma_wait3A_550, %dma_wait3A_551, %dma_wait3A_552, %dma_wait3A_553] : memref<2x8x50x128xf32, #tpu.memory_space<vmem>> -> memref<1x1x50x128xf32, #tpu.memory_space<vmem>>
      %dma_wait3A_555 = tpu.memref_squeeze %dma_wait3A_554 : memref<1x1x50x128xf32, #tpu.memory_space<vmem>> -> memref<50x128xf32, #tpu.memory_space<vmem>>
      %dma_wait3A_556 = arith.constant 0 : i32
      %dma_wait3A_557 = tpu.memref_slice %arg5[%dma_wait3A_549, %dma_wait3A_556] : memref<512x50xi32, #tpu.memory_space<vmem>> -> memref<1x50xi32, #tpu.memory_space<vmem>>
      %dma_wait3A_558 = tpu.memref_squeeze %dma_wait3A_557 : memref<1x50xi32, #tpu.memory_space<vmem>> -> memref<50xi32, #tpu.memory_space<vmem>>
      %dma_wait3A_559 = arith.constant 0 : i32
      %dma_wait3A_560 = arith.constant 0 : i32
      %dma_wait3A_561 = tpu.memref_slice %arg2[%dma_wait3A_559, %dma_wait3A_560] : memref<1000000x128xf32, #tpu.memory_space<hbm>> -> memref<1000000x128xf32, #tpu.memory_space<hbm>>
      tpu.wait_indirect_dma semaphore(%arg7 : memref<!tpu.dma_semaphore, #tpu.memory_space<semaphore_mem>>) src(%dma_wait3A_561 : memref<1000000x128xf32, #tpu.memory_space<hbm>>) dst(%dma_wait3A_555 : memref<50x128xf32, #tpu.memory_space<vmem>>)
      %dma_wait3A_562 = arith.constant 0 : i32
      %dma_wait3A_563 = arith.constant 0 : i32
      %dma_wait3A_564 = arith.constant 5 : i32
      %dma_wait3A_565 = arith.constant 0 : i32
      %dma_wait3A_566 = arith.constant 0 : i32
      %dma_wait3A_567 = tpu.memref_slice %arg6[%dma_wait3A_563, %dma_wait3A_564, %dma_wait3A_565, %dma_wait3A_566] : memref<2x8x50x128xf32, #tpu.memory_space<vmem>> -> memref<1x1x50x128xf32, #tpu.memory_space<vmem>>
      %dma_wait3A_568 = tpu.memref_squeeze %dma_wait3A_567 : memref<1x1x50x128xf32, #tpu.memory_space<vmem>> -> memref<50x128xf32, #tpu.memory_space<vmem>>
      %dma_wait3A_569 = arith.constant 0 : i32
      %dma_wait3A_570 = tpu.memref_slice %arg5[%dma_wait3A_562, %dma_wait3A_569] : memref<512x50xi32, #tpu.memory_space<vmem>> -> memref<1x50xi32, #tpu.memory_space<vmem>>
      %dma_wait3A_571 = tpu.memref_squeeze %dma_wait3A_570 : memref<1x50xi32, #tpu.memory_space<vmem>> -> memref<50xi32, #tpu.memory_space<vmem>>
      %dma_wait3A_572 = arith.constant 0 : i32
      %dma_wait3A_573 = arith.constant 0 : i32
      %dma_wait3A_574 = tpu.memref_slice %arg2[%dma_wait3A_572, %dma_wait3A_573] : memref<1000000x128xf32, #tpu.memory_space<hbm>> -> memref<1000000x128xf32, #tpu.memory_space<hbm>>
      tpu.wait_indirect_dma semaphore(%arg7 : memref<!tpu.dma_semaphore, #tpu.memory_space<semaphore_mem>>) src(%dma_wait3A_574 : memref<1000000x128xf32, #tpu.memory_space<hbm>>) dst(%dma_wait3A_568 : memref<50x128xf32, #tpu.memory_space<vmem>>)
      %dma_wait3A_575 = arith.constant 0 : i32
      %dma_wait3A_576 = arith.constant 0 : i32
      %dma_wait3A_577 = arith.constant 6 : i32
      %dma_wait3A_578 = arith.constant 0 : i32
      %dma_wait3A_579 = arith.constant 0 : i32
      %dma_wait3A_580 = tpu.memref_slice %arg6[%dma_wait3A_576, %dma_wait3A_577, %dma_wait3A_578, %dma_wait3A_579] : memref<2x8x50x128xf32, #tpu.memory_space<vmem>> -> memref<1x1x50x128xf32, #tpu.memory_space<vmem>>
      %dma_wait3A_581 = tpu.memref_squeeze %dma_wait3A_580 : memref<1x1x50x128xf32, #tpu.memory_space<vmem>> -> memref<50x128xf32, #tpu.memory_space<vmem>>
      %dma_wait3A_582 = arith.constant 0 : i32
      %dma_wait3A_583 = tpu.memref_slice %arg5[%dma_wait3A_575, %dma_wait3A_582] : memref<512x50xi32, #tpu.memory_space<vmem>> -> memref<1x50xi32, #tpu.memory_space<vmem>>
      %dma_wait3A_584 = tpu.memref_squeeze %dma_wait3A_583 : memref<1x50xi32, #tpu.memory_space<vmem>> -> memref<50xi32, #tpu.memory_space<vmem>>
      %dma_wait3A_585 = arith.constant 0 : i32
      %dma_wait3A_586 = arith.constant 0 : i32
      %dma_wait3A_587 = tpu.memref_slice %arg2[%dma_wait3A_585, %dma_wait3A_586] : memref<1000000x128xf32, #tpu.memory_space<hbm>> -> memref<1000000x128xf32, #tpu.memory_space<hbm>>
      tpu.wait_indirect_dma semaphore(%arg7 : memref<!tpu.dma_semaphore, #tpu.memory_space<semaphore_mem>>) src(%dma_wait3A_587 : memref<1000000x128xf32, #tpu.memory_space<hbm>>) dst(%dma_wait3A_581 : memref<50x128xf32, #tpu.memory_space<vmem>>)
      %dma_wait3A_588 = arith.constant 0 : i32
      %dma_wait3A_589 = arith.constant 0 : i32
      %dma_wait3A_590 = arith.constant 7 : i32
      %dma_wait3A_591 = arith.constant 0 : i32
      %dma_wait3A_592 = arith.constant 0 : i32
      %dma_wait3A_593 = tpu.memref_slice %arg6[%dma_wait3A_589, %dma_wait3A_590, %dma_wait3A_591, %dma_wait3A_592] : memref<2x8x50x128xf32, #tpu.memory_space<vmem>> -> memref<1x1x50x128xf32, #tpu.memory_space<vmem>>
      %dma_wait3A_594 = tpu.memref_squeeze %dma_wait3A_593 : memref<1x1x50x128xf32, #tpu.memory_space<vmem>> -> memref<50x128xf32, #tpu.memory_space<vmem>>
      %dma_wait3A_595 = arith.constant 0 : i32
      %dma_wait3A_596 = tpu.memref_slice %arg5[%dma_wait3A_588, %dma_wait3A_595] : memref<512x50xi32, #tpu.memory_space<vmem>> -> memref<1x50xi32, #tpu.memory_space<vmem>>
      %dma_wait3A_597 = tpu.memref_squeeze %dma_wait3A_596 : memref<1x50xi32, #tpu.memory_space<vmem>> -> memref<50xi32, #tpu.memory_space<vmem>>
      %dma_wait3A_598 = arith.constant 0 : i32
      %dma_wait3A_599 = arith.constant 0 : i32
      %dma_wait3A_600 = tpu.memref_slice %arg2[%dma_wait3A_598, %dma_wait3A_599] : memref<1000000x128xf32, #tpu.memory_space<hbm>> -> memref<1000000x128xf32, #tpu.memory_space<hbm>>
      tpu.wait_indirect_dma semaphore(%arg7 : memref<!tpu.dma_semaphore, #tpu.memory_space<semaphore_mem>>) src(%dma_wait3A_600 : memref<1000000x128xf32, #tpu.memory_space<hbm>>) dst(%dma_wait3A_594 : memref<50x128xf32, #tpu.memory_space<vmem>>)
      %add3A_601 = arith.constant 0 : i32
      %add3A_602 = arith.addi %mul3A_496, %add3A_601 : i32
      %mul3A_603 = arith.constant 8 : i32
      %mul3A_604 = arith.muli %add3A_602, %mul3A_603 : i32
      %add3A_605 = arith.addi %mul3A_2, %mul3A_604 : i32
      %dma_start3A_606 = arith.constant 0 : i32
      %dma_start3A_607 = arith.constant 0 : i32
      %dma_start3A_608 = arith.constant 0 : i32
      %dma_start3A_609 = arith.constant 0 : i32
      %dma_start3A_610 = tpu.memref_slice %arg6[%dma_start3A_606, %dma_start3A_607, %dma_start3A_608, %dma_start3A_609] : memref<2x8x50x128xf32, #tpu.memory_space<vmem>> -> memref<1x8x50x128xf32, #tpu.memory_space<vmem>>
      %dma_start3A_611 = tpu.memref_squeeze %dma_start3A_610 : memref<1x8x50x128xf32, #tpu.memory_space<vmem>> -> memref<8x50x128xf32, #tpu.memory_space<vmem>>
      %dma_start3A_612 = arith.constant 0 : i32
      %dma_start3A_613 = arith.constant 0 : i32
      %dma_start3A_614 = tpu.memref_slice %arg4[%add3A_605, %dma_start3A_612, %dma_start3A_613] : memref<16384x56x128xf32, #tpu.memory_space<hbm>> -> memref<8x50x128xf32, #tpu.memory_space<hbm>>
      %dma_start3A_615 = arith.constant 0 : i32
      %dma_start3A_616 = arith.constant 0 : i32
      %dma_start3A_617 = tpu.memref_slice %arg4[%add3A_605, %dma_start3A_615, %dma_start3A_616] : memref<16384x56x128xf32, #tpu.memory_space<hbm>> -> memref<8x50x128xf32, #tpu.memory_space<hbm>>
      %dma_start3A_618 = arith.constant 0 : i32
      %dma_start3A_619 = arith.constant 0 : i32
      %dma_start3A_620 = arith.constant 0 : i32
      %dma_start3A_621 = tpu.memref_slice %arg6[%dma_start3A_606, %dma_start3A_618, %dma_start3A_619, %dma_start3A_620] : memref<2x8x50x128xf32, #tpu.memory_space<vmem>> -> memref<1x8x50x128xf32, #tpu.memory_space<vmem>>
      %dma_start3A_622 = tpu.memref_squeeze %dma_start3A_621 : memref<1x8x50x128xf32, #tpu.memory_space<vmem>> -> memref<8x50x128xf32, #tpu.memory_space<vmem>>
      tpu.enqueue_dma source(%dma_start3A_622 : memref<8x50x128xf32, #tpu.memory_space<vmem>>) target(%dma_start3A_617 : memref<8x50x128xf32, #tpu.memory_space<hbm>>) target_semaphore(%arg8 : memref<!tpu.dma_semaphore, #tpu.memory_space<semaphore_mem>>)
      %dma_wait3A_623 = arith.constant 0 : i32
      %dma_wait3A_624 = arith.constant 1 : i32
      %dma_wait3A_625 = arith.constant 0 : i32
      %dma_wait3A_626 = arith.constant 0 : i32
      %dma_wait3A_627 = arith.constant 0 : i32
      %dma_wait3A_628 = tpu.memref_slice %arg6[%dma_wait3A_624, %dma_wait3A_625, %dma_wait3A_626, %dma_wait3A_627] : memref<2x8x50x128xf32, #tpu.memory_space<vmem>> -> memref<1x1x50x128xf32, #tpu.memory_space<vmem>>
      %dma_wait3A_629 = tpu.memref_squeeze %dma_wait3A_628 : memref<1x1x50x128xf32, #tpu.memory_space<vmem>> -> memref<50x128xf32, #tpu.memory_space<vmem>>
      %dma_wait3A_630 = arith.constant 0 : i32
      %dma_wait3A_631 = tpu.memref_slice %arg5[%dma_wait3A_623, %dma_wait3A_630] : memref<512x50xi32, #tpu.memory_space<vmem>> -> memref<1x50xi32, #tpu.memory_space<vmem>>
      %dma_wait3A_632 = tpu.memref_squeeze %dma_wait3A_631 : memref<1x50xi32, #tpu.memory_space<vmem>> -> memref<50xi32, #tpu.memory_space<vmem>>
      %dma_wait3A_633 = arith.constant 0 : i32
      %dma_wait3A_634 = arith.constant 0 : i32
      %dma_wait3A_635 = tpu.memref_slice %arg2[%dma_wait3A_633, %dma_wait3A_634] : memref<1000000x128xf32, #tpu.memory_space<hbm>> -> memref<1000000x128xf32, #tpu.memory_space<hbm>>
      tpu.wait_indirect_dma semaphore(%arg7 : memref<!tpu.dma_semaphore, #tpu.memory_space<semaphore_mem>>) src(%dma_wait3A_635 : memref<1000000x128xf32, #tpu.memory_space<hbm>>) dst(%dma_wait3A_629 : memref<50x128xf32, #tpu.memory_space<vmem>>)
      %dma_wait3A_636 = arith.constant 0 : i32
      %dma_wait3A_637 = arith.constant 1 : i32
      %dma_wait3A_638 = arith.constant 1 : i32
      %dma_wait3A_639 = arith.constant 0 : i32
      %dma_wait3A_640 = arith.constant 0 : i32
      %dma_wait3A_641 = tpu.memref_slice %arg6[%dma_wait3A_637, %dma_wait3A_638, %dma_wait3A_639, %dma_wait3A_640] : memref<2x8x50x128xf32, #tpu.memory_space<vmem>> -> memref<1x1x50x128xf32, #tpu.memory_space<vmem>>
      %dma_wait3A_642 = tpu.memref_squeeze %dma_wait3A_641 : memref<1x1x50x128xf32, #tpu.memory_space<vmem>> -> memref<50x128xf32, #tpu.memory_space<vmem>>
      %dma_wait3A_643 = arith.constant 0 : i32
      %dma_wait3A_644 = tpu.memref_slice %arg5[%dma_wait3A_636, %dma_wait3A_643] : memref<512x50xi32, #tpu.memory_space<vmem>> -> memref<1x50xi32, #tpu.memory_space<vmem>>
      %dma_wait3A_645 = tpu.memref_squeeze %dma_wait3A_644 : memref<1x50xi32, #tpu.memory_space<vmem>> -> memref<50xi32, #tpu.memory_space<vmem>>
      %dma_wait3A_646 = arith.constant 0 : i32
      %dma_wait3A_647 = arith.constant 0 : i32
      %dma_wait3A_648 = tpu.memref_slice %arg2[%dma_wait3A_646, %dma_wait3A_647] : memref<1000000x128xf32, #tpu.memory_space<hbm>> -> memref<1000000x128xf32, #tpu.memory_space<hbm>>
      tpu.wait_indirect_dma semaphore(%arg7 : memref<!tpu.dma_semaphore, #tpu.memory_space<semaphore_mem>>) src(%dma_wait3A_648 : memref<1000000x128xf32, #tpu.memory_space<hbm>>) dst(%dma_wait3A_642 : memref<50x128xf32, #tpu.memory_space<vmem>>)
      %dma_wait3A_649 = arith.constant 0 : i32
      %dma_wait3A_650 = arith.constant 1 : i32
      %dma_wait3A_651 = arith.constant 2 : i32
      %dma_wait3A_652 = arith.constant 0 : i32
      %dma_wait3A_653 = arith.constant 0 : i32
      %dma_wait3A_654 = tpu.memref_slice %arg6[%dma_wait3A_650, %dma_wait3A_651, %dma_wait3A_652, %dma_wait3A_653] : memref<2x8x50x128xf32, #tpu.memory_space<vmem>> -> memref<1x1x50x128xf32, #tpu.memory_space<vmem>>
      %dma_wait3A_655 = tpu.memref_squeeze %dma_wait3A_654 : memref<1x1x50x128xf32, #tpu.memory_space<vmem>> -> memref<50x128xf32, #tpu.memory_space<vmem>>
      %dma_wait3A_656 = arith.constant 0 : i32
      %dma_wait3A_657 = tpu.memref_slice %arg5[%dma_wait3A_649, %dma_wait3A_656] : memref<512x50xi32, #tpu.memory_space<vmem>> -> memref<1x50xi32, #tpu.memory_space<vmem>>
      %dma_wait3A_658 = tpu.memref_squeeze %dma_wait3A_657 : memref<1x50xi32, #tpu.memory_space<vmem>> -> memref<50xi32, #tpu.memory_space<vmem>>
      %dma_wait3A_659 = arith.constant 0 : i32
      %dma_wait3A_660 = arith.constant 0 : i32
      %dma_wait3A_661 = tpu.memref_slice %arg2[%dma_wait3A_659, %dma_wait3A_660] : memref<1000000x128xf32, #tpu.memory_space<hbm>> -> memref<1000000x128xf32, #tpu.memory_space<hbm>>
      tpu.wait_indirect_dma semaphore(%arg7 : memref<!tpu.dma_semaphore, #tpu.memory_space<semaphore_mem>>) src(%dma_wait3A_661 : memref<1000000x128xf32, #tpu.memory_space<hbm>>) dst(%dma_wait3A_655 : memref<50x128xf32, #tpu.memory_space<vmem>>)
      %dma_wait3A_662 = arith.constant 0 : i32
      %dma_wait3A_663 = arith.constant 1 : i32
      %dma_wait3A_664 = arith.constant 3 : i32
      %dma_wait3A_665 = arith.constant 0 : i32
      %dma_wait3A_666 = arith.constant 0 : i32
      %dma_wait3A_667 = tpu.memref_slice %arg6[%dma_wait3A_663, %dma_wait3A_664, %dma_wait3A_665, %dma_wait3A_666] : memref<2x8x50x128xf32, #tpu.memory_space<vmem>> -> memref<1x1x50x128xf32, #tpu.memory_space<vmem>>
      %dma_wait3A_668 = tpu.memref_squeeze %dma_wait3A_667 : memref<1x1x50x128xf32, #tpu.memory_space<vmem>> -> memref<50x128xf32, #tpu.memory_space<vmem>>
      %dma_wait3A_669 = arith.constant 0 : i32
      %dma_wait3A_670 = tpu.memref_slice %arg5[%dma_wait3A_662, %dma_wait3A_669] : memref<512x50xi32, #tpu.memory_space<vmem>> -> memref<1x50xi32, #tpu.memory_space<vmem>>
      %dma_wait3A_671 = tpu.memref_squeeze %dma_wait3A_670 : memref<1x50xi32, #tpu.memory_space<vmem>> -> memref<50xi32, #tpu.memory_space<vmem>>
      %dma_wait3A_672 = arith.constant 0 : i32
      %dma_wait3A_673 = arith.constant 0 : i32
      %dma_wait3A_674 = tpu.memref_slice %arg2[%dma_wait3A_672, %dma_wait3A_673] : memref<1000000x128xf32, #tpu.memory_space<hbm>> -> memref<1000000x128xf32, #tpu.memory_space<hbm>>
      tpu.wait_indirect_dma semaphore(%arg7 : memref<!tpu.dma_semaphore, #tpu.memory_space<semaphore_mem>>) src(%dma_wait3A_674 : memref<1000000x128xf32, #tpu.memory_space<hbm>>) dst(%dma_wait3A_668 : memref<50x128xf32, #tpu.memory_space<vmem>>)
      %dma_wait3A_675 = arith.constant 0 : i32
      %dma_wait3A_676 = arith.constant 1 : i32
      %dma_wait3A_677 = arith.constant 4 : i32
      %dma_wait3A_678 = arith.constant 0 : i32
      %dma_wait3A_679 = arith.constant 0 : i32
      %dma_wait3A_680 = tpu.memref_slice %arg6[%dma_wait3A_676, %dma_wait3A_677, %dma_wait3A_678, %dma_wait3A_679] : memref<2x8x50x128xf32, #tpu.memory_space<vmem>> -> memref<1x1x50x128xf32, #tpu.memory_space<vmem>>
      %dma_wait3A_681 = tpu.memref_squeeze %dma_wait3A_680 : memref<1x1x50x128xf32, #tpu.memory_space<vmem>> -> memref<50x128xf32, #tpu.memory_space<vmem>>
      %dma_wait3A_682 = arith.constant 0 : i32
      %dma_wait3A_683 = tpu.memref_slice %arg5[%dma_wait3A_675, %dma_wait3A_682] : memref<512x50xi32, #tpu.memory_space<vmem>> -> memref<1x50xi32, #tpu.memory_space<vmem>>
      %dma_wait3A_684 = tpu.memref_squeeze %dma_wait3A_683 : memref<1x50xi32, #tpu.memory_space<vmem>> -> memref<50xi32, #tpu.memory_space<vmem>>
      %dma_wait3A_685 = arith.constant 0 : i32
      %dma_wait3A_686 = arith.constant 0 : i32
      %dma_wait3A_687 = tpu.memref_slice %arg2[%dma_wait3A_685, %dma_wait3A_686] : memref<1000000x128xf32, #tpu.memory_space<hbm>> -> memref<1000000x128xf32, #tpu.memory_space<hbm>>
      tpu.wait_indirect_dma semaphore(%arg7 : memref<!tpu.dma_semaphore, #tpu.memory_space<semaphore_mem>>) src(%dma_wait3A_687 : memref<1000000x128xf32, #tpu.memory_space<hbm>>) dst(%dma_wait3A_681 : memref<50x128xf32, #tpu.memory_space<vmem>>)
      %dma_wait3A_688 = arith.constant 0 : i32
      %dma_wait3A_689 = arith.constant 1 : i32
      %dma_wait3A_690 = arith.constant 5 : i32
      %dma_wait3A_691 = arith.constant 0 : i32
      %dma_wait3A_692 = arith.constant 0 : i32
      %dma_wait3A_693 = tpu.memref_slice %arg6[%dma_wait3A_689, %dma_wait3A_690, %dma_wait3A_691, %dma_wait3A_692] : memref<2x8x50x128xf32, #tpu.memory_space<vmem>> -> memref<1x1x50x128xf32, #tpu.memory_space<vmem>>
      %dma_wait3A_694 = tpu.memref_squeeze %dma_wait3A_693 : memref<1x1x50x128xf32, #tpu.memory_space<vmem>> -> memref<50x128xf32, #tpu.memory_space<vmem>>
      %dma_wait3A_695 = arith.constant 0 : i32
      %dma_wait3A_696 = tpu.memref_slice %arg5[%dma_wait3A_688, %dma_wait3A_695] : memref<512x50xi32, #tpu.memory_space<vmem>> -> memref<1x50xi32, #tpu.memory_space<vmem>>
      %dma_wait3A_697 = tpu.memref_squeeze %dma_wait3A_696 : memref<1x50xi32, #tpu.memory_space<vmem>> -> memref<50xi32, #tpu.memory_space<vmem>>
      %dma_wait3A_698 = arith.constant 0 : i32
      %dma_wait3A_699 = arith.constant 0 : i32
      %dma_wait3A_700 = tpu.memref_slice %arg2[%dma_wait3A_698, %dma_wait3A_699] : memref<1000000x128xf32, #tpu.memory_space<hbm>> -> memref<1000000x128xf32, #tpu.memory_space<hbm>>
      tpu.wait_indirect_dma semaphore(%arg7 : memref<!tpu.dma_semaphore, #tpu.memory_space<semaphore_mem>>) src(%dma_wait3A_700 : memref<1000000x128xf32, #tpu.memory_space<hbm>>) dst(%dma_wait3A_694 : memref<50x128xf32, #tpu.memory_space<vmem>>)
      %dma_wait3A_701 = arith.constant 0 : i32
      %dma_wait3A_702 = arith.constant 1 : i32
      %dma_wait3A_703 = arith.constant 6 : i32
      %dma_wait3A_704 = arith.constant 0 : i32
      %dma_wait3A_705 = arith.constant 0 : i32
      %dma_wait3A_706 = tpu.memref_slice %arg6[%dma_wait3A_702, %dma_wait3A_703, %dma_wait3A_704, %dma_wait3A_705] : memref<2x8x50x128xf32, #tpu.memory_space<vmem>> -> memref<1x1x50x128xf32, #tpu.memory_space<vmem>>
      %dma_wait3A_707 = tpu.memref_squeeze %dma_wait3A_706 : memref<1x1x50x128xf32, #tpu.memory_space<vmem>> -> memref<50x128xf32, #tpu.memory_space<vmem>>
      %dma_wait3A_708 = arith.constant 0 : i32
      %dma_wait3A_709 = tpu.memref_slice %arg5[%dma_wait3A_701, %dma_wait3A_708] : memref<512x50xi32, #tpu.memory_space<vmem>> -> memref<1x50xi32, #tpu.memory_space<vmem>>
      %dma_wait3A_710 = tpu.memref_squeeze %dma_wait3A_709 : memref<1x50xi32, #tpu.memory_space<vmem>> -> memref<50xi32, #tpu.memory_space<vmem>>
      %dma_wait3A_711 = arith.constant 0 : i32
      %dma_wait3A_712 = arith.constant 0 : i32
      %dma_wait3A_713 = tpu.memref_slice %arg2[%dma_wait3A_711, %dma_wait3A_712] : memref<1000000x128xf32, #tpu.memory_space<hbm>> -> memref<1000000x128xf32, #tpu.memory_space<hbm>>
      tpu.wait_indirect_dma semaphore(%arg7 : memref<!tpu.dma_semaphore, #tpu.memory_space<semaphore_mem>>) src(%dma_wait3A_713 : memref<1000000x128xf32, #tpu.memory_space<hbm>>) dst(%dma_wait3A_707 : memref<50x128xf32, #tpu.memory_space<vmem>>)
      %dma_wait3A_714 = arith.constant 0 : i32
      %dma_wait3A_715 = arith.constant 1 : i32
      %dma_wait3A_716 = arith.constant 7 : i32
      %dma_wait3A_717 = arith.constant 0 : i32
      %dma_wait3A_718 = arith.constant 0 : i32
      %dma_wait3A_719 = tpu.memref_slice %arg6[%dma_wait3A_715, %dma_wait3A_716, %dma_wait3A_717, %dma_wait3A_718] : memref<2x8x50x128xf32, #tpu.memory_space<vmem>> -> memref<1x1x50x128xf32, #tpu.memory_space<vmem>>
      %dma_wait3A_720 = tpu.memref_squeeze %dma_wait3A_719 : memref<1x1x50x128xf32, #tpu.memory_space<vmem>> -> memref<50x128xf32, #tpu.memory_space<vmem>>
      %dma_wait3A_721 = arith.constant 0 : i32
      %dma_wait3A_722 = tpu.memref_slice %arg5[%dma_wait3A_714, %dma_wait3A_721] : memref<512x50xi32, #tpu.memory_space<vmem>> -> memref<1x50xi32, #tpu.memory_space<vmem>>
      %dma_wait3A_723 = tpu.memref_squeeze %dma_wait3A_722 : memref<1x50xi32, #tpu.memory_space<vmem>> -> memref<50xi32, #tpu.memory_space<vmem>>
      %dma_wait3A_724 = arith.constant 0 : i32
      %dma_wait3A_725 = arith.constant 0 : i32
      %dma_wait3A_726 = tpu.memref_slice %arg2[%dma_wait3A_724, %dma_wait3A_725] : memref<1000000x128xf32, #tpu.memory_space<hbm>> -> memref<1000000x128xf32, #tpu.memory_space<hbm>>
      tpu.wait_indirect_dma semaphore(%arg7 : memref<!tpu.dma_semaphore, #tpu.memory_space<semaphore_mem>>) src(%dma_wait3A_726 : memref<1000000x128xf32, #tpu.memory_space<hbm>>) dst(%dma_wait3A_720 : memref<50x128xf32, #tpu.memory_space<vmem>>)
      %add3A_727 = arith.constant 1 : i32
      %add3A_728 = arith.addi %mul3A_496, %add3A_727 : i32
      %mul3A_729 = arith.constant 8 : i32
      %mul3A_730 = arith.muli %add3A_728, %mul3A_729 : i32
      %add3A_731 = arith.addi %mul3A_2, %mul3A_730 : i32
      %dma_start3A_732 = arith.constant 1 : i32
      %dma_start3A_733 = arith.constant 0 : i32
      %dma_start3A_734 = arith.constant 0 : i32
      %dma_start3A_735 = arith.constant 0 : i32
      %dma_start3A_736 = tpu.memref_slice %arg6[%dma_start3A_732, %dma_start3A_733, %dma_start3A_734, %dma_start3A_735] : memref<2x8x50x128xf32, #tpu.memory_space<vmem>> -> memref<1x8x50x128xf32, #tpu.memory_space<vmem>>
      %dma_start3A_737 = tpu.memref_squeeze %dma_start3A_736 : memref<1x8x50x128xf32, #tpu.memory_space<vmem>> -> memref<8x50x128xf32, #tpu.memory_space<vmem>>
      %dma_start3A_738 = arith.constant 0 : i32
      %dma_start3A_739 = arith.constant 0 : i32
      %dma_start3A_740 = tpu.memref_slice %arg4[%add3A_731, %dma_start3A_738, %dma_start3A_739] : memref<16384x56x128xf32, #tpu.memory_space<hbm>> -> memref<8x50x128xf32, #tpu.memory_space<hbm>>
      %dma_start3A_741 = arith.constant 0 : i32
      %dma_start3A_742 = arith.constant 0 : i32
      %dma_start3A_743 = tpu.memref_slice %arg4[%add3A_731, %dma_start3A_741, %dma_start3A_742] : memref<16384x56x128xf32, #tpu.memory_space<hbm>> -> memref<8x50x128xf32, #tpu.memory_space<hbm>>
      %dma_start3A_744 = arith.constant 0 : i32
      %dma_start3A_745 = arith.constant 0 : i32
      %dma_start3A_746 = arith.constant 0 : i32
      %dma_start3A_747 = tpu.memref_slice %arg6[%dma_start3A_732, %dma_start3A_744, %dma_start3A_745, %dma_start3A_746] : memref<2x8x50x128xf32, #tpu.memory_space<vmem>> -> memref<1x8x50x128xf32, #tpu.memory_space<vmem>>
      %dma_start3A_748 = tpu.memref_squeeze %dma_start3A_747 : memref<1x8x50x128xf32, #tpu.memory_space<vmem>> -> memref<8x50x128xf32, #tpu.memory_space<vmem>>
      tpu.enqueue_dma source(%dma_start3A_748 : memref<8x50x128xf32, #tpu.memory_space<vmem>>) target(%dma_start3A_743 : memref<8x50x128xf32, #tpu.memory_space<hbm>>) target_semaphore(%arg8 : memref<!tpu.dma_semaphore, #tpu.memory_space<semaphore_mem>>)
      %dma_wait3A_749 = arith.constant 0 : i32
      %dma_wait3A_750 = arith.constant 0 : i32
      %dma_wait3A_751 = arith.constant 0 : i32
      %dma_wait3A_752 = arith.constant 0 : i32
      %dma_wait3A_753 = tpu.memref_slice %arg6[%dma_wait3A_749, %dma_wait3A_750, %dma_wait3A_751, %dma_wait3A_752] : memref<2x8x50x128xf32, #tpu.memory_space<vmem>> -> memref<1x8x50x128xf32, #tpu.memory_space<vmem>>
      %dma_wait3A_754 = tpu.memref_squeeze %dma_wait3A_753 : memref<1x8x50x128xf32, #tpu.memory_space<vmem>> -> memref<8x50x128xf32, #tpu.memory_space<vmem>>
      %dma_wait3A_755 = arith.constant 0 : i32
      %dma_wait3A_756 = arith.constant 0 : i32
      %dma_wait3A_757 = tpu.memref_slice %arg4[%mul3A_2, %dma_wait3A_755, %dma_wait3A_756] : memref<16384x56x128xf32, #tpu.memory_space<hbm>> -> memref<8x50x128xf32, #tpu.memory_space<hbm>>
      %dma_wait3A_758 = arith.constant 0 : i32
      %dma_wait3A_759 = arith.constant 0 : i32
      %dma_wait3A_760 = tpu.memref_slice %arg4[%mul3A_2, %dma_wait3A_758, %dma_wait3A_759] : memref<16384x56x128xf32, #tpu.memory_space<hbm>> -> memref<8x50x128xf32, #tpu.memory_space<hbm>>
      %dma_wait3A_761 = arith.constant 0 : i32
      %dma_wait3A_762 = arith.constant 0 : i32
      %dma_wait3A_763 = arith.constant 0 : i32
      %dma_wait3A_764 = tpu.memref_slice %arg6[%dma_wait3A_749, %dma_wait3A_761, %dma_wait3A_762, %dma_wait3A_763] : memref<2x8x50x128xf32, #tpu.memory_space<vmem>> -> memref<1x8x50x128xf32, #tpu.memory_space<vmem>>
      %dma_wait3A_765 = tpu.memref_squeeze %dma_wait3A_764 : memref<1x8x50x128xf32, #tpu.memory_space<vmem>> -> memref<8x50x128xf32, #tpu.memory_space<vmem>>
      tpu.wait_dma2 semaphore(%arg8 : memref<!tpu.dma_semaphore, #tpu.memory_space<semaphore_mem>>) src(%dma_wait3A_765 : memref<8x50x128xf32, #tpu.memory_space<vmem>>) dst(%dma_wait3A_760 : memref<8x50x128xf32, #tpu.memory_space<hbm>>)
      %add3A_766 = arith.constant 2 : i32
      %add3A_767 = arith.addi %mul3A_496, %add3A_766 : i32
      %add3A_768 = arith.constant 0 : i32
      %add3A_769 = arith.addi %add3A_767, %add3A_768 : i32
      %mul3A_770 = arith.constant 8 : i32
      %mul3A_771 = arith.muli %add3A_769, %mul3A_770 : i32
      %add3A_772 = arith.constant 0 : i32
      %add3A_773 = arith.addi %mul3A_771, %add3A_772 : i32
      %dma_start3A_774 = arith.constant 0 : i32
      %dma_start3A_775 = arith.constant 0 : i32
      %dma_start3A_776 = arith.constant 0 : i32
      %dma_start3A_777 = arith.constant 0 : i32
      %dma_start3A_778 = tpu.memref_slice %arg6[%dma_start3A_774, %dma_start3A_775, %dma_start3A_776, %dma_start3A_777] : memref<2x8x50x128xf32, #tpu.memory_space<vmem>> -> memref<1x1x50x128xf32, #tpu.memory_space<vmem>>
      %dma_start3A_779 = tpu.memref_squeeze %dma_start3A_778 : memref<1x1x50x128xf32, #tpu.memory_space<vmem>> -> memref<50x128xf32, #tpu.memory_space<vmem>>
      %dma_start3A_780 = arith.constant 0 : i32
      %dma_start3A_781 = tpu.memref_slice %arg5[%add3A_773, %dma_start3A_780] : memref<512x50xi32, #tpu.memory_space<vmem>> -> memref<1x50xi32, #tpu.memory_space<vmem>>
      %dma_start3A_782 = tpu.memref_squeeze %dma_start3A_781 : memref<1x50xi32, #tpu.memory_space<vmem>> -> memref<50xi32, #tpu.memory_space<vmem>>
      %dma_start3A_783 = arith.constant 0 : i32
      %dma_start3A_784 = arith.constant 0 : i32
      %dma_start3A_785 = tpu.memref_slice %arg2[%dma_start3A_783, %dma_start3A_784] : memref<1000000x128xf32, #tpu.memory_space<hbm>> -> memref<1000000x128xf32, #tpu.memory_space<hbm>>
      tpu.enqueue_indirect_dma source(%dma_start3A_785 : memref<1000000x128xf32, #tpu.memory_space<hbm>>) target(%dma_start3A_779 : memref<50x128xf32, #tpu.memory_space<vmem>>) offsets(%dma_start3A_782 : memref<50xi32, #tpu.memory_space<vmem>>) semaphore(%arg7 : memref<!tpu.dma_semaphore, #tpu.memory_space<semaphore_mem>>)
      %mul3A_786 = arith.constant 8 : i32
      %mul3A_787 = arith.muli %add3A_769, %mul3A_786 : i32
      %add3A_788 = arith.constant 1 : i32
      %add3A_789 = arith.addi %mul3A_787, %add3A_788 : i32
      %dma_start3A_790 = arith.constant 0 : i32
      %dma_start3A_791 = arith.constant 1 : i32
      %dma_start3A_792 = arith.constant 0 : i32
      %dma_start3A_793 = arith.constant 0 : i32
      %dma_start3A_794 = tpu.memref_slice %arg6[%dma_start3A_790, %dma_start3A_791, %dma_start3A_792, %dma_start3A_793] : memref<2x8x50x128xf32, #tpu.memory_space<vmem>> -> memref<1x1x50x128xf32, #tpu.memory_space<vmem>>
      %dma_start3A_795 = tpu.memref_squeeze %dma_start3A_794 : memref<1x1x50x128xf32, #tpu.memory_space<vmem>> -> memref<50x128xf32, #tpu.memory_space<vmem>>
      %dma_start3A_796 = arith.constant 0 : i32
      %dma_start3A_797 = tpu.memref_slice %arg5[%add3A_789, %dma_start3A_796] : memref<512x50xi32, #tpu.memory_space<vmem>> -> memref<1x50xi32, #tpu.memory_space<vmem>>
      %dma_start3A_798 = tpu.memref_squeeze %dma_start3A_797 : memref<1x50xi32, #tpu.memory_space<vmem>> -> memref<50xi32, #tpu.memory_space<vmem>>
      %dma_start3A_799 = arith.constant 0 : i32
      %dma_start3A_800 = arith.constant 0 : i32
      %dma_start3A_801 = tpu.memref_slice %arg2[%dma_start3A_799, %dma_start3A_800] : memref<1000000x128xf32, #tpu.memory_space<hbm>> -> memref<1000000x128xf32, #tpu.memory_space<hbm>>
      tpu.enqueue_indirect_dma source(%dma_start3A_801 : memref<1000000x128xf32, #tpu.memory_space<hbm>>) target(%dma_start3A_795 : memref<50x128xf32, #tpu.memory_space<vmem>>) offsets(%dma_start3A_798 : memref<50xi32, #tpu.memory_space<vmem>>) semaphore(%arg7 : memref<!tpu.dma_semaphore, #tpu.memory_space<semaphore_mem>>)
      %mul3A_802 = arith.constant 8 : i32
      %mul3A_803 = arith.muli %add3A_769, %mul3A_802 : i32
      %add3A_804 = arith.constant 2 : i32
      %add3A_805 = arith.addi %mul3A_803, %add3A_804 : i32
      %dma_start3A_806 = arith.constant 0 : i32
      %dma_start3A_807 = arith.constant 2 : i32
      %dma_start3A_808 = arith.constant 0 : i32
      %dma_start3A_809 = arith.constant 0 : i32
      %dma_start3A_810 = tpu.memref_slice %arg6[%dma_start3A_806, %dma_start3A_807, %dma_start3A_808, %dma_start3A_809] : memref<2x8x50x128xf32, #tpu.memory_space<vmem>> -> memref<1x1x50x128xf32, #tpu.memory_space<vmem>>
      %dma_start3A_811 = tpu.memref_squeeze %dma_start3A_810 : memref<1x1x50x128xf32, #tpu.memory_space<vmem>> -> memref<50x128xf32, #tpu.memory_space<vmem>>
      %dma_start3A_812 = arith.constant 0 : i32
      %dma_start3A_813 = tpu.memref_slice %arg5[%add3A_805, %dma_start3A_812] : memref<512x50xi32, #tpu.memory_space<vmem>> -> memref<1x50xi32, #tpu.memory_space<vmem>>
      %dma_start3A_814 = tpu.memref_squeeze %dma_start3A_813 : memref<1x50xi32, #tpu.memory_space<vmem>> -> memref<50xi32, #tpu.memory_space<vmem>>
      %dma_start3A_815 = arith.constant 0 : i32
      %dma_start3A_816 = arith.constant 0 : i32
      %dma_start3A_817 = tpu.memref_slice %arg2[%dma_start3A_815, %dma_start3A_816] : memref<1000000x128xf32, #tpu.memory_space<hbm>> -> memref<1000000x128xf32, #tpu.memory_space<hbm>>
      tpu.enqueue_indirect_dma source(%dma_start3A_817 : memref<1000000x128xf32, #tpu.memory_space<hbm>>) target(%dma_start3A_811 : memref<50x128xf32, #tpu.memory_space<vmem>>) offsets(%dma_start3A_814 : memref<50xi32, #tpu.memory_space<vmem>>) semaphore(%arg7 : memref<!tpu.dma_semaphore, #tpu.memory_space<semaphore_mem>>)
      %mul3A_818 = arith.constant 8 : i32
      %mul3A_819 = arith.muli %add3A_769, %mul3A_818 : i32
      %add3A_820 = arith.constant 3 : i32
      %add3A_821 = arith.addi %mul3A_819, %add3A_820 : i32
      %dma_start3A_822 = arith.constant 0 : i32
      %dma_start3A_823 = arith.constant 3 : i32
      %dma_start3A_824 = arith.constant 0 : i32
      %dma_start3A_825 = arith.constant 0 : i32
      %dma_start3A_826 = tpu.memref_slice %arg6[%dma_start3A_822, %dma_start3A_823, %dma_start3A_824, %dma_start3A_825] : memref<2x8x50x128xf32, #tpu.memory_space<vmem>> -> memref<1x1x50x128xf32, #tpu.memory_space<vmem>>
      %dma_start3A_827 = tpu.memref_squeeze %dma_start3A_826 : memref<1x1x50x128xf32, #tpu.memory_space<vmem>> -> memref<50x128xf32, #tpu.memory_space<vmem>>
      %dma_start3A_828 = arith.constant 0 : i32
      %dma_start3A_829 = tpu.memref_slice %arg5[%add3A_821, %dma_start3A_828] : memref<512x50xi32, #tpu.memory_space<vmem>> -> memref<1x50xi32, #tpu.memory_space<vmem>>
      %dma_start3A_830 = tpu.memref_squeeze %dma_start3A_829 : memref<1x50xi32, #tpu.memory_space<vmem>> -> memref<50xi32, #tpu.memory_space<vmem>>
      %dma_start3A_831 = arith.constant 0 : i32
      %dma_start3A_832 = arith.constant 0 : i32
      %dma_start3A_833 = tpu.memref_slice %arg2[%dma_start3A_831, %dma_start3A_832] : memref<1000000x128xf32, #tpu.memory_space<hbm>> -> memref<1000000x128xf32, #tpu.memory_space<hbm>>
      tpu.enqueue_indirect_dma source(%dma_start3A_833 : memref<1000000x128xf32, #tpu.memory_space<hbm>>) target(%dma_start3A_827 : memref<50x128xf32, #tpu.memory_space<vmem>>) offsets(%dma_start3A_830 : memref<50xi32, #tpu.memory_space<vmem>>) semaphore(%arg7 : memref<!tpu.dma_semaphore, #tpu.memory_space<semaphore_mem>>)
      %mul3A_834 = arith.constant 8 : i32
      %mul3A_835 = arith.muli %add3A_769, %mul3A_834 : i32
      %add3A_836 = arith.constant 4 : i32
      %add3A_837 = arith.addi %mul3A_835, %add3A_836 : i32
      %dma_start3A_838 = arith.constant 0 : i32
      %dma_start3A_839 = arith.constant 4 : i32
      %dma_start3A_840 = arith.constant 0 : i32
      %dma_start3A_841 = arith.constant 0 : i32
      %dma_start3A_842 = tpu.memref_slice %arg6[%dma_start3A_838, %dma_start3A_839, %dma_start3A_840, %dma_start3A_841] : memref<2x8x50x128xf32, #tpu.memory_space<vmem>> -> memref<1x1x50x128xf32, #tpu.memory_space<vmem>>
      %dma_start3A_843 = tpu.memref_squeeze %dma_start3A_842 : memref<1x1x50x128xf32, #tpu.memory_space<vmem>> -> memref<50x128xf32, #tpu.memory_space<vmem>>
      %dma_start3A_844 = arith.constant 0 : i32
      %dma_start3A_845 = tpu.memref_slice %arg5[%add3A_837, %dma_start3A_844] : memref<512x50xi32, #tpu.memory_space<vmem>> -> memref<1x50xi32, #tpu.memory_space<vmem>>
      %dma_start3A_846 = tpu.memref_squeeze %dma_start3A_845 : memref<1x50xi32, #tpu.memory_space<vmem>> -> memref<50xi32, #tpu.memory_space<vmem>>
      %dma_start3A_847 = arith.constant 0 : i32
      %dma_start3A_848 = arith.constant 0 : i32
      %dma_start3A_849 = tpu.memref_slice %arg2[%dma_start3A_847, %dma_start3A_848] : memref<1000000x128xf32, #tpu.memory_space<hbm>> -> memref<1000000x128xf32, #tpu.memory_space<hbm>>
      tpu.enqueue_indirect_dma source(%dma_start3A_849 : memref<1000000x128xf32, #tpu.memory_space<hbm>>) target(%dma_start3A_843 : memref<50x128xf32, #tpu.memory_space<vmem>>) offsets(%dma_start3A_846 : memref<50xi32, #tpu.memory_space<vmem>>) semaphore(%arg7 : memref<!tpu.dma_semaphore, #tpu.memory_space<semaphore_mem>>)
      %mul3A_850 = arith.constant 8 : i32
      %mul3A_851 = arith.muli %add3A_769, %mul3A_850 : i32
      %add3A_852 = arith.constant 5 : i32
      %add3A_853 = arith.addi %mul3A_851, %add3A_852 : i32
      %dma_start3A_854 = arith.constant 0 : i32
      %dma_start3A_855 = arith.constant 5 : i32
      %dma_start3A_856 = arith.constant 0 : i32
      %dma_start3A_857 = arith.constant 0 : i32
      %dma_start3A_858 = tpu.memref_slice %arg6[%dma_start3A_854, %dma_start3A_855, %dma_start3A_856, %dma_start3A_857] : memref<2x8x50x128xf32, #tpu.memory_space<vmem>> -> memref<1x1x50x128xf32, #tpu.memory_space<vmem>>
      %dma_start3A_859 = tpu.memref_squeeze %dma_start3A_858 : memref<1x1x50x128xf32, #tpu.memory_space<vmem>> -> memref<50x128xf32, #tpu.memory_space<vmem>>
      %dma_start3A_860 = arith.constant 0 : i32
      %dma_start3A_861 = tpu.memref_slice %arg5[%add3A_853, %dma_start3A_860] : memref<512x50xi32, #tpu.memory_space<vmem>> -> memref<1x50xi32, #tpu.memory_space<vmem>>
      %dma_start3A_862 = tpu.memref_squeeze %dma_start3A_861 : memref<1x50xi32, #tpu.memory_space<vmem>> -> memref<50xi32, #tpu.memory_space<vmem>>
      %dma_start3A_863 = arith.constant 0 : i32
      %dma_start3A_864 = arith.constant 0 : i32
      %dma_start3A_865 = tpu.memref_slice %arg2[%dma_start3A_863, %dma_start3A_864] : memref<1000000x128xf32, #tpu.memory_space<hbm>> -> memref<1000000x128xf32, #tpu.memory_space<hbm>>
      tpu.enqueue_indirect_dma source(%dma_start3A_865 : memref<1000000x128xf32, #tpu.memory_space<hbm>>) target(%dma_start3A_859 : memref<50x128xf32, #tpu.memory_space<vmem>>) offsets(%dma_start3A_862 : memref<50xi32, #tpu.memory_space<vmem>>) semaphore(%arg7 : memref<!tpu.dma_semaphore, #tpu.memory_space<semaphore_mem>>)
      %mul3A_866 = arith.constant 8 : i32
      %mul3A_867 = arith.muli %add3A_769, %mul3A_866 : i32
      %add3A_868 = arith.constant 6 : i32
      %add3A_869 = arith.addi %mul3A_867, %add3A_868 : i32
      %dma_start3A_870 = arith.constant 0 : i32
      %dma_start3A_871 = arith.constant 6 : i32
      %dma_start3A_872 = arith.constant 0 : i32
      %dma_start3A_873 = arith.constant 0 : i32
      %dma_start3A_874 = tpu.memref_slice %arg6[%dma_start3A_870, %dma_start3A_871, %dma_start3A_872, %dma_start3A_873] : memref<2x8x50x128xf32, #tpu.memory_space<vmem>> -> memref<1x1x50x128xf32, #tpu.memory_space<vmem>>
      %dma_start3A_875 = tpu.memref_squeeze %dma_start3A_874 : memref<1x1x50x128xf32, #tpu.memory_space<vmem>> -> memref<50x128xf32, #tpu.memory_space<vmem>>
      %dma_start3A_876 = arith.constant 0 : i32
      %dma_start3A_877 = tpu.memref_slice %arg5[%add3A_869, %dma_start3A_876] : memref<512x50xi32, #tpu.memory_space<vmem>> -> memref<1x50xi32, #tpu.memory_space<vmem>>
      %dma_start3A_878 = tpu.memref_squeeze %dma_start3A_877 : memref<1x50xi32, #tpu.memory_space<vmem>> -> memref<50xi32, #tpu.memory_space<vmem>>
      %dma_start3A_879 = arith.constant 0 : i32
      %dma_start3A_880 = arith.constant 0 : i32
      %dma_start3A_881 = tpu.memref_slice %arg2[%dma_start3A_879, %dma_start3A_880] : memref<1000000x128xf32, #tpu.memory_space<hbm>> -> memref<1000000x128xf32, #tpu.memory_space<hbm>>
      tpu.enqueue_indirect_dma source(%dma_start3A_881 : memref<1000000x128xf32, #tpu.memory_space<hbm>>) target(%dma_start3A_875 : memref<50x128xf32, #tpu.memory_space<vmem>>) offsets(%dma_start3A_878 : memref<50xi32, #tpu.memory_space<vmem>>) semaphore(%arg7 : memref<!tpu.dma_semaphore, #tpu.memory_space<semaphore_mem>>)
      %mul3A_882 = arith.constant 8 : i32
      %mul3A_883 = arith.muli %add3A_769, %mul3A_882 : i32
      %add3A_884 = arith.constant 7 : i32
      %add3A_885 = arith.addi %mul3A_883, %add3A_884 : i32
      %dma_start3A_886 = arith.constant 0 : i32
      %dma_start3A_887 = arith.constant 7 : i32
      %dma_start3A_888 = arith.constant 0 : i32
      %dma_start3A_889 = arith.constant 0 : i32
      %dma_start3A_890 = tpu.memref_slice %arg6[%dma_start3A_886, %dma_start3A_887, %dma_start3A_888, %dma_start3A_889] : memref<2x8x50x128xf32, #tpu.memory_space<vmem>> -> memref<1x1x50x128xf32, #tpu.memory_space<vmem>>
      %dma_start3A_891 = tpu.memref_squeeze %dma_start3A_890 : memref<1x1x50x128xf32, #tpu.memory_space<vmem>> -> memref<50x128xf32, #tpu.memory_space<vmem>>
      %dma_start3A_892 = arith.constant 0 : i32
      %dma_start3A_893 = tpu.memref_slice %arg5[%add3A_885, %dma_start3A_892] : memref<512x50xi32, #tpu.memory_space<vmem>> -> memref<1x50xi32, #tpu.memory_space<vmem>>
      %dma_start3A_894 = tpu.memref_squeeze %dma_start3A_893 : memref<1x50xi32, #tpu.memory_space<vmem>> -> memref<50xi32, #tpu.memory_space<vmem>>
      %dma_start3A_895 = arith.constant 0 : i32
      %dma_start3A_896 = arith.constant 0 : i32
      %dma_start3A_897 = tpu.memref_slice %arg2[%dma_start3A_895, %dma_start3A_896] : memref<1000000x128xf32, #tpu.memory_space<hbm>> -> memref<1000000x128xf32, #tpu.memory_space<hbm>>
      tpu.enqueue_indirect_dma source(%dma_start3A_897 : memref<1000000x128xf32, #tpu.memory_space<hbm>>) target(%dma_start3A_891 : memref<50x128xf32, #tpu.memory_space<vmem>>) offsets(%dma_start3A_894 : memref<50xi32, #tpu.memory_space<vmem>>) semaphore(%arg7 : memref<!tpu.dma_semaphore, #tpu.memory_space<semaphore_mem>>)
      %dma_wait3A_898 = arith.constant 1 : i32
      %dma_wait3A_899 = arith.constant 0 : i32
      %dma_wait3A_900 = arith.constant 0 : i32
      %dma_wait3A_901 = arith.constant 0 : i32
      %dma_wait3A_902 = tpu.memref_slice %arg6[%dma_wait3A_898, %dma_wait3A_899, %dma_wait3A_900, %dma_wait3A_901] : memref<2x8x50x128xf32, #tpu.memory_space<vmem>> -> memref<1x8x50x128xf32, #tpu.memory_space<vmem>>
      %dma_wait3A_903 = tpu.memref_squeeze %dma_wait3A_902 : memref<1x8x50x128xf32, #tpu.memory_space<vmem>> -> memref<8x50x128xf32, #tpu.memory_space<vmem>>
      %dma_wait3A_904 = arith.constant 0 : i32
      %dma_wait3A_905 = arith.constant 0 : i32
      %dma_wait3A_906 = tpu.memref_slice %arg4[%mul3A_2, %dma_wait3A_904, %dma_wait3A_905] : memref<16384x56x128xf32, #tpu.memory_space<hbm>> -> memref<8x50x128xf32, #tpu.memory_space<hbm>>
      %dma_wait3A_907 = arith.constant 0 : i32
      %dma_wait3A_908 = arith.constant 0 : i32
      %dma_wait3A_909 = tpu.memref_slice %arg4[%mul3A_2, %dma_wait3A_907, %dma_wait3A_908] : memref<16384x56x128xf32, #tpu.memory_space<hbm>> -> memref<8x50x128xf32, #tpu.memory_space<hbm>>
      %dma_wait3A_910 = arith.constant 0 : i32
      %dma_wait3A_911 = arith.constant 0 : i32
      %dma_wait3A_912 = arith.constant 0 : i32
      %dma_wait3A_913 = tpu.memref_slice %arg6[%dma_wait3A_898, %dma_wait3A_910, %dma_wait3A_911, %dma_wait3A_912] : memref<2x8x50x128xf32, #tpu.memory_space<vmem>> -> memref<1x8x50x128xf32, #tpu.memory_space<vmem>>
      %dma_wait3A_914 = tpu.memref_squeeze %dma_wait3A_913 : memref<1x8x50x128xf32, #tpu.memory_space<vmem>> -> memref<8x50x128xf32, #tpu.memory_space<vmem>>
      tpu.wait_dma2 semaphore(%arg8 : memref<!tpu.dma_semaphore, #tpu.memory_space<semaphore_mem>>) src(%dma_wait3A_914 : memref<8x50x128xf32, #tpu.memory_space<vmem>>) dst(%dma_wait3A_909 : memref<8x50x128xf32, #tpu.memory_space<hbm>>)
      %add3A_915 = arith.constant 2 : i32
      %add3A_916 = arith.addi %mul3A_496, %add3A_915 : i32
      %add3A_917 = arith.constant 1 : i32
      %add3A_918 = arith.addi %add3A_916, %add3A_917 : i32
      %mul3A_919 = arith.constant 8 : i32
      %mul3A_920 = arith.muli %add3A_918, %mul3A_919 : i32
      %add3A_921 = arith.constant 0 : i32
      %add3A_922 = arith.addi %mul3A_920, %add3A_921 : i32
      %dma_start3A_923 = arith.constant 1 : i32
      %dma_start3A_924 = arith.constant 0 : i32
      %dma_start3A_925 = arith.constant 0 : i32
      %dma_start3A_926 = arith.constant 0 : i32
      %dma_start3A_927 = tpu.memref_slice %arg6[%dma_start3A_923, %dma_start3A_924, %dma_start3A_925, %dma_start3A_926] : memref<2x8x50x128xf32, #tpu.memory_space<vmem>> -> memref<1x1x50x128xf32, #tpu.memory_space<vmem>>
      %dma_start3A_928 = tpu.memref_squeeze %dma_start3A_927 : memref<1x1x50x128xf32, #tpu.memory_space<vmem>> -> memref<50x128xf32, #tpu.memory_space<vmem>>
      %dma_start3A_929 = arith.constant 0 : i32
      %dma_start3A_930 = tpu.memref_slice %arg5[%add3A_922, %dma_start3A_929] : memref<512x50xi32, #tpu.memory_space<vmem>> -> memref<1x50xi32, #tpu.memory_space<vmem>>
      %dma_start3A_931 = tpu.memref_squeeze %dma_start3A_930 : memref<1x50xi32, #tpu.memory_space<vmem>> -> memref<50xi32, #tpu.memory_space<vmem>>
      %dma_start3A_932 = arith.constant 0 : i32
      %dma_start3A_933 = arith.constant 0 : i32
      %dma_start3A_934 = tpu.memref_slice %arg2[%dma_start3A_932, %dma_start3A_933] : memref<1000000x128xf32, #tpu.memory_space<hbm>> -> memref<1000000x128xf32, #tpu.memory_space<hbm>>
      tpu.enqueue_indirect_dma source(%dma_start3A_934 : memref<1000000x128xf32, #tpu.memory_space<hbm>>) target(%dma_start3A_928 : memref<50x128xf32, #tpu.memory_space<vmem>>) offsets(%dma_start3A_931 : memref<50xi32, #tpu.memory_space<vmem>>) semaphore(%arg7 : memref<!tpu.dma_semaphore, #tpu.memory_space<semaphore_mem>>)
      %mul3A_935 = arith.constant 8 : i32
      %mul3A_936 = arith.muli %add3A_918, %mul3A_935 : i32
      %add3A_937 = arith.constant 1 : i32
      %add3A_938 = arith.addi %mul3A_936, %add3A_937 : i32
      %dma_start3A_939 = arith.constant 1 : i32
      %dma_start3A_940 = arith.constant 1 : i32
      %dma_start3A_941 = arith.constant 0 : i32
      %dma_start3A_942 = arith.constant 0 : i32
      %dma_start3A_943 = tpu.memref_slice %arg6[%dma_start3A_939, %dma_start3A_940, %dma_start3A_941, %dma_start3A_942] : memref<2x8x50x128xf32, #tpu.memory_space<vmem>> -> memref<1x1x50x128xf32, #tpu.memory_space<vmem>>
      %dma_start3A_944 = tpu.memref_squeeze %dma_start3A_943 : memref<1x1x50x128xf32, #tpu.memory_space<vmem>> -> memref<50x128xf32, #tpu.memory_space<vmem>>
      %dma_start3A_945 = arith.constant 0 : i32
      %dma_start3A_946 = tpu.memref_slice %arg5[%add3A_938, %dma_start3A_945] : memref<512x50xi32, #tpu.memory_space<vmem>> -> memref<1x50xi32, #tpu.memory_space<vmem>>
      %dma_start3A_947 = tpu.memref_squeeze %dma_start3A_946 : memref<1x50xi32, #tpu.memory_space<vmem>> -> memref<50xi32, #tpu.memory_space<vmem>>
      %dma_start3A_948 = arith.constant 0 : i32
      %dma_start3A_949 = arith.constant 0 : i32
      %dma_start3A_950 = tpu.memref_slice %arg2[%dma_start3A_948, %dma_start3A_949] : memref<1000000x128xf32, #tpu.memory_space<hbm>> -> memref<1000000x128xf32, #tpu.memory_space<hbm>>
      tpu.enqueue_indirect_dma source(%dma_start3A_950 : memref<1000000x128xf32, #tpu.memory_space<hbm>>) target(%dma_start3A_944 : memref<50x128xf32, #tpu.memory_space<vmem>>) offsets(%dma_start3A_947 : memref<50xi32, #tpu.memory_space<vmem>>) semaphore(%arg7 : memref<!tpu.dma_semaphore, #tpu.memory_space<semaphore_mem>>)
      %mul3A_951 = arith.constant 8 : i32
      %mul3A_952 = arith.muli %add3A_918, %mul3A_951 : i32
      %add3A_953 = arith.constant 2 : i32
      %add3A_954 = arith.addi %mul3A_952, %add3A_953 : i32
      %dma_start3A_955 = arith.constant 1 : i32
      %dma_start3A_956 = arith.constant 2 : i32
      %dma_start3A_957 = arith.constant 0 : i32
      %dma_start3A_958 = arith.constant 0 : i32
      %dma_start3A_959 = tpu.memref_slice %arg6[%dma_start3A_955, %dma_start3A_956, %dma_start3A_957, %dma_start3A_958] : memref<2x8x50x128xf32, #tpu.memory_space<vmem>> -> memref<1x1x50x128xf32, #tpu.memory_space<vmem>>
      %dma_start3A_960 = tpu.memref_squeeze %dma_start3A_959 : memref<1x1x50x128xf32, #tpu.memory_space<vmem>> -> memref<50x128xf32, #tpu.memory_space<vmem>>
      %dma_start3A_961 = arith.constant 0 : i32
      %dma_start3A_962 = tpu.memref_slice %arg5[%add3A_954, %dma_start3A_961] : memref<512x50xi32, #tpu.memory_space<vmem>> -> memref<1x50xi32, #tpu.memory_space<vmem>>
      %dma_start3A_963 = tpu.memref_squeeze %dma_start3A_962 : memref<1x50xi32, #tpu.memory_space<vmem>> -> memref<50xi32, #tpu.memory_space<vmem>>
      %dma_start3A_964 = arith.constant 0 : i32
      %dma_start3A_965 = arith.constant 0 : i32
      %dma_start3A_966 = tpu.memref_slice %arg2[%dma_start3A_964, %dma_start3A_965] : memref<1000000x128xf32, #tpu.memory_space<hbm>> -> memref<1000000x128xf32, #tpu.memory_space<hbm>>
      tpu.enqueue_indirect_dma source(%dma_start3A_966 : memref<1000000x128xf32, #tpu.memory_space<hbm>>) target(%dma_start3A_960 : memref<50x128xf32, #tpu.memory_space<vmem>>) offsets(%dma_start3A_963 : memref<50xi32, #tpu.memory_space<vmem>>) semaphore(%arg7 : memref<!tpu.dma_semaphore, #tpu.memory_space<semaphore_mem>>)
      %mul3A_967 = arith.constant 8 : i32
      %mul3A_968 = arith.muli %add3A_918, %mul3A_967 : i32
      %add3A_969 = arith.constant 3 : i32
      %add3A_970 = arith.addi %mul3A_968, %add3A_969 : i32
      %dma_start3A_971 = arith.constant 1 : i32
      %dma_start3A_972 = arith.constant 3 : i32
      %dma_start3A_973 = arith.constant 0 : i32
      %dma_start3A_974 = arith.constant 0 : i32
      %dma_start3A_975 = tpu.memref_slice %arg6[%dma_start3A_971, %dma_start3A_972, %dma_start3A_973, %dma_start3A_974] : memref<2x8x50x128xf32, #tpu.memory_space<vmem>> -> memref<1x1x50x128xf32, #tpu.memory_space<vmem>>
      %dma_start3A_976 = tpu.memref_squeeze %dma_start3A_975 : memref<1x1x50x128xf32, #tpu.memory_space<vmem>> -> memref<50x128xf32, #tpu.memory_space<vmem>>
      %dma_start3A_977 = arith.constant 0 : i32
      %dma_start3A_978 = tpu.memref_slice %arg5[%add3A_970, %dma_start3A_977] : memref<512x50xi32, #tpu.memory_space<vmem>> -> memref<1x50xi32, #tpu.memory_space<vmem>>
      %dma_start3A_979 = tpu.memref_squeeze %dma_start3A_978 : memref<1x50xi32, #tpu.memory_space<vmem>> -> memref<50xi32, #tpu.memory_space<vmem>>
      %dma_start3A_980 = arith.constant 0 : i32
      %dma_start3A_981 = arith.constant 0 : i32
      %dma_start3A_982 = tpu.memref_slice %arg2[%dma_start3A_980, %dma_start3A_981] : memref<1000000x128xf32, #tpu.memory_space<hbm>> -> memref<1000000x128xf32, #tpu.memory_space<hbm>>
      tpu.enqueue_indirect_dma source(%dma_start3A_982 : memref<1000000x128xf32, #tpu.memory_space<hbm>>) target(%dma_start3A_976 : memref<50x128xf32, #tpu.memory_space<vmem>>) offsets(%dma_start3A_979 : memref<50xi32, #tpu.memory_space<vmem>>) semaphore(%arg7 : memref<!tpu.dma_semaphore, #tpu.memory_space<semaphore_mem>>)
      %mul3A_983 = arith.constant 8 : i32
      %mul3A_984 = arith.muli %add3A_918, %mul3A_983 : i32
      %add3A_985 = arith.constant 4 : i32
      %add3A_986 = arith.addi %mul3A_984, %add3A_985 : i32
      %dma_start3A_987 = arith.constant 1 : i32
      %dma_start3A_988 = arith.constant 4 : i32
      %dma_start3A_989 = arith.constant 0 : i32
      %dma_start3A_990 = arith.constant 0 : i32
      %dma_start3A_991 = tpu.memref_slice %arg6[%dma_start3A_987, %dma_start3A_988, %dma_start3A_989, %dma_start3A_990] : memref<2x8x50x128xf32, #tpu.memory_space<vmem>> -> memref<1x1x50x128xf32, #tpu.memory_space<vmem>>
      %dma_start3A_992 = tpu.memref_squeeze %dma_start3A_991 : memref<1x1x50x128xf32, #tpu.memory_space<vmem>> -> memref<50x128xf32, #tpu.memory_space<vmem>>
      %dma_start3A_993 = arith.constant 0 : i32
      %dma_start3A_994 = tpu.memref_slice %arg5[%add3A_986, %dma_start3A_993] : memref<512x50xi32, #tpu.memory_space<vmem>> -> memref<1x50xi32, #tpu.memory_space<vmem>>
      %dma_start3A_995 = tpu.memref_squeeze %dma_start3A_994 : memref<1x50xi32, #tpu.memory_space<vmem>> -> memref<50xi32, #tpu.memory_space<vmem>>
      %dma_start3A_996 = arith.constant 0 : i32
      %dma_start3A_997 = arith.constant 0 : i32
      %dma_start3A_998 = tpu.memref_slice %arg2[%dma_start3A_996, %dma_start3A_997] : memref<1000000x128xf32, #tpu.memory_space<hbm>> -> memref<1000000x128xf32, #tpu.memory_space<hbm>>
      tpu.enqueue_indirect_dma source(%dma_start3A_998 : memref<1000000x128xf32, #tpu.memory_space<hbm>>) target(%dma_start3A_992 : memref<50x128xf32, #tpu.memory_space<vmem>>) offsets(%dma_start3A_995 : memref<50xi32, #tpu.memory_space<vmem>>) semaphore(%arg7 : memref<!tpu.dma_semaphore, #tpu.memory_space<semaphore_mem>>)
      %mul3A_999 = arith.constant 8 : i32
      %mul3A_1000 = arith.muli %add3A_918, %mul3A_999 : i32
      %add3A_1001 = arith.constant 5 : i32
      %add3A_1002 = arith.addi %mul3A_1000, %add3A_1001 : i32
      %dma_start3A_1003 = arith.constant 1 : i32
      %dma_start3A_1004 = arith.constant 5 : i32
      %dma_start3A_1005 = arith.constant 0 : i32
      %dma_start3A_1006 = arith.constant 0 : i32
      %dma_start3A_1007 = tpu.memref_slice %arg6[%dma_start3A_1003, %dma_start3A_1004, %dma_start3A_1005, %dma_start3A_1006] : memref<2x8x50x128xf32, #tpu.memory_space<vmem>> -> memref<1x1x50x128xf32, #tpu.memory_space<vmem>>
      %dma_start3A_1008 = tpu.memref_squeeze %dma_start3A_1007 : memref<1x1x50x128xf32, #tpu.memory_space<vmem>> -> memref<50x128xf32, #tpu.memory_space<vmem>>
      %dma_start3A_1009 = arith.constant 0 : i32
      %dma_start3A_1010 = tpu.memref_slice %arg5[%add3A_1002, %dma_start3A_1009] : memref<512x50xi32, #tpu.memory_space<vmem>> -> memref<1x50xi32, #tpu.memory_space<vmem>>
      %dma_start3A_1011 = tpu.memref_squeeze %dma_start3A_1010 : memref<1x50xi32, #tpu.memory_space<vmem>> -> memref<50xi32, #tpu.memory_space<vmem>>
      %dma_start3A_1012 = arith.constant 0 : i32
      %dma_start3A_1013 = arith.constant 0 : i32
      %dma_start3A_1014 = tpu.memref_slice %arg2[%dma_start3A_1012, %dma_start3A_1013] : memref<1000000x128xf32, #tpu.memory_space<hbm>> -> memref<1000000x128xf32, #tpu.memory_space<hbm>>
      tpu.enqueue_indirect_dma source(%dma_start3A_1014 : memref<1000000x128xf32, #tpu.memory_space<hbm>>) target(%dma_start3A_1008 : memref<50x128xf32, #tpu.memory_space<vmem>>) offsets(%dma_start3A_1011 : memref<50xi32, #tpu.memory_space<vmem>>) semaphore(%arg7 : memref<!tpu.dma_semaphore, #tpu.memory_space<semaphore_mem>>)
      %mul3A_1015 = arith.constant 8 : i32
      %mul3A_1016 = arith.muli %add3A_918, %mul3A_1015 : i32
      %add3A_1017 = arith.constant 6 : i32
      %add3A_1018 = arith.addi %mul3A_1016, %add3A_1017 : i32
      %dma_start3A_1019 = arith.constant 1 : i32
      %dma_start3A_1020 = arith.constant 6 : i32
      %dma_start3A_1021 = arith.constant 0 : i32
      %dma_start3A_1022 = arith.constant 0 : i32
      %dma_start3A_1023 = tpu.memref_slice %arg6[%dma_start3A_1019, %dma_start3A_1020, %dma_start3A_1021, %dma_start3A_1022] : memref<2x8x50x128xf32, #tpu.memory_space<vmem>> -> memref<1x1x50x128xf32, #tpu.memory_space<vmem>>
      %dma_start3A_1024 = tpu.memref_squeeze %dma_start3A_1023 : memref<1x1x50x128xf32, #tpu.memory_space<vmem>> -> memref<50x128xf32, #tpu.memory_space<vmem>>
      %dma_start3A_1025 = arith.constant 0 : i32
      %dma_start3A_1026 = tpu.memref_slice %arg5[%add3A_1018, %dma_start3A_1025] : memref<512x50xi32, #tpu.memory_space<vmem>> -> memref<1x50xi32, #tpu.memory_space<vmem>>
      %dma_start3A_1027 = tpu.memref_squeeze %dma_start3A_1026 : memref<1x50xi32, #tpu.memory_space<vmem>> -> memref<50xi32, #tpu.memory_space<vmem>>
      %dma_start3A_1028 = arith.constant 0 : i32
      %dma_start3A_1029 = arith.constant 0 : i32
      %dma_start3A_1030 = tpu.memref_slice %arg2[%dma_start3A_1028, %dma_start3A_1029] : memref<1000000x128xf32, #tpu.memory_space<hbm>> -> memref<1000000x128xf32, #tpu.memory_space<hbm>>
      tpu.enqueue_indirect_dma source(%dma_start3A_1030 : memref<1000000x128xf32, #tpu.memory_space<hbm>>) target(%dma_start3A_1024 : memref<50x128xf32, #tpu.memory_space<vmem>>) offsets(%dma_start3A_1027 : memref<50xi32, #tpu.memory_space<vmem>>) semaphore(%arg7 : memref<!tpu.dma_semaphore, #tpu.memory_space<semaphore_mem>>)
      %mul3A_1031 = arith.constant 8 : i32
      %mul3A_1032 = arith.muli %add3A_918, %mul3A_1031 : i32
      %add3A_1033 = arith.constant 7 : i32
      %add3A_1034 = arith.addi %mul3A_1032, %add3A_1033 : i32
      %dma_start3A_1035 = arith.constant 1 : i32
      %dma_start3A_1036 = arith.constant 7 : i32
      %dma_start3A_1037 = arith.constant 0 : i32
      %dma_start3A_1038 = arith.constant 0 : i32
      %dma_start3A_1039 = tpu.memref_slice %arg6[%dma_start3A_1035, %dma_start3A_1036, %dma_start3A_1037, %dma_start3A_1038] : memref<2x8x50x128xf32, #tpu.memory_space<vmem>> -> memref<1x1x50x128xf32, #tpu.memory_space<vmem>>
      %dma_start3A_1040 = tpu.memref_squeeze %dma_start3A_1039 : memref<1x1x50x128xf32, #tpu.memory_space<vmem>> -> memref<50x128xf32, #tpu.memory_space<vmem>>
      %dma_start3A_1041 = arith.constant 0 : i32
      %dma_start3A_1042 = tpu.memref_slice %arg5[%add3A_1034, %dma_start3A_1041] : memref<512x50xi32, #tpu.memory_space<vmem>> -> memref<1x50xi32, #tpu.memory_space<vmem>>
      %dma_start3A_1043 = tpu.memref_squeeze %dma_start3A_1042 : memref<1x50xi32, #tpu.memory_space<vmem>> -> memref<50xi32, #tpu.memory_space<vmem>>
      %dma_start3A_1044 = arith.constant 0 : i32
      %dma_start3A_1045 = arith.constant 0 : i32
      %dma_start3A_1046 = tpu.memref_slice %arg2[%dma_start3A_1044, %dma_start3A_1045] : memref<1000000x128xf32, #tpu.memory_space<hbm>> -> memref<1000000x128xf32, #tpu.memory_space<hbm>>
      tpu.enqueue_indirect_dma source(%dma_start3A_1046 : memref<1000000x128xf32, #tpu.memory_space<hbm>>) target(%dma_start3A_1040 : memref<50x128xf32, #tpu.memory_space<vmem>>) offsets(%dma_start3A_1043 : memref<50xi32, #tpu.memory_space<vmem>>) semaphore(%arg7 : memref<!tpu.dma_semaphore, #tpu.memory_space<semaphore_mem>>)
    }
    %scan3A_214 = arith.constant 31 : i32
    %dma_wait3A = arith.constant 0 : i32
    %dma_wait3A_215 = arith.constant 0 : i32
    %dma_wait3A_216 = arith.constant 0 : i32
    %dma_wait3A_217 = arith.constant 0 : i32
    %dma_wait3A_218 = arith.constant 0 : i32
    %dma_wait3A_219 = tpu.memref_slice %arg6[%dma_wait3A_215, %dma_wait3A_216, %dma_wait3A_217, %dma_wait3A_218] : memref<2x8x50x128xf32, #tpu.memory_space<vmem>> -> memref<1x1x50x128xf32, #tpu.memory_space<vmem>>
    %dma_wait3A_220 = tpu.memref_squeeze %dma_wait3A_219 : memref<1x1x50x128xf32, #tpu.memory_space<vmem>> -> memref<50x128xf32, #tpu.memory_space<vmem>>
    %dma_wait3A_221 = arith.constant 0 : i32
    %dma_wait3A_222 = tpu.memref_slice %arg5[%dma_wait3A, %dma_wait3A_221] : memref<512x50xi32, #tpu.memory_space<vmem>> -> memref<1x50xi32, #tpu.memory_space<vmem>>
    %dma_wait3A_223 = tpu.memref_squeeze %dma_wait3A_222 : memref<1x50xi32, #tpu.memory_space<vmem>> -> memref<50xi32, #tpu.memory_space<vmem>>
    %dma_wait3A_224 = arith.constant 0 : i32
    %dma_wait3A_225 = arith.constant 0 : i32
    %dma_wait3A_226 = tpu.memref_slice %arg2[%dma_wait3A_224, %dma_wait3A_225] : memref<1000000x128xf32, #tpu.memory_space<hbm>> -> memref<1000000x128xf32, #tpu.memory_space<hbm>>
    tpu.wait_indirect_dma semaphore(%arg7 : memref<!tpu.dma_semaphore, #tpu.memory_space<semaphore_mem>>) src(%dma_wait3A_226 : memref<1000000x128xf32, #tpu.memory_space<hbm>>) dst(%dma_wait3A_220 : memref<50x128xf32, #tpu.memory_space<vmem>>)
    %dma_wait3A_227 = arith.constant 0 : i32
    %dma_wait3A_228 = arith.constant 0 : i32
    %dma_wait3A_229 = arith.constant 1 : i32
    %dma_wait3A_230 = arith.constant 0 : i32
    %dma_wait3A_231 = arith.constant 0 : i32
    %dma_wait3A_232 = tpu.memref_slice %arg6[%dma_wait3A_228, %dma_wait3A_229, %dma_wait3A_230, %dma_wait3A_231] : memref<2x8x50x128xf32, #tpu.memory_space<vmem>> -> memref<1x1x50x128xf32, #tpu.memory_space<vmem>>
    %dma_wait3A_233 = tpu.memref_squeeze %dma_wait3A_232 : memref<1x1x50x128xf32, #tpu.memory_space<vmem>> -> memref<50x128xf32, #tpu.memory_space<vmem>>
    %dma_wait3A_234 = arith.constant 0 : i32
    %dma_wait3A_235 = tpu.memref_slice %arg5[%dma_wait3A_227, %dma_wait3A_234] : memref<512x50xi32, #tpu.memory_space<vmem>> -> memref<1x50xi32, #tpu.memory_space<vmem>>
    %dma_wait3A_236 = tpu.memref_squeeze %dma_wait3A_235 : memref<1x50xi32, #tpu.memory_space<vmem>> -> memref<50xi32, #tpu.memory_space<vmem>>
    %dma_wait3A_237 = arith.constant 0 : i32
    %dma_wait3A_238 = arith.constant 0 : i32
    %dma_wait3A_239 = tpu.memref_slice %arg2[%dma_wait3A_237, %dma_wait3A_238] : memref<1000000x128xf32, #tpu.memory_space<hbm>> -> memref<1000000x128xf32, #tpu.memory_space<hbm>>
    tpu.wait_indirect_dma semaphore(%arg7 : memref<!tpu.dma_semaphore, #tpu.memory_space<semaphore_mem>>) src(%dma_wait3A_239 : memref<1000000x128xf32, #tpu.memory_space<hbm>>) dst(%dma_wait3A_233 : memref<50x128xf32, #tpu.memory_space<vmem>>)
    %dma_wait3A_240 = arith.constant 0 : i32
    %dma_wait3A_241 = arith.constant 0 : i32
    %dma_wait3A_242 = arith.constant 2 : i32
    %dma_wait3A_243 = arith.constant 0 : i32
    %dma_wait3A_244 = arith.constant 0 : i32
    %dma_wait3A_245 = tpu.memref_slice %arg6[%dma_wait3A_241, %dma_wait3A_242, %dma_wait3A_243, %dma_wait3A_244] : memref<2x8x50x128xf32, #tpu.memory_space<vmem>> -> memref<1x1x50x128xf32, #tpu.memory_space<vmem>>
    %dma_wait3A_246 = tpu.memref_squeeze %dma_wait3A_245 : memref<1x1x50x128xf32, #tpu.memory_space<vmem>> -> memref<50x128xf32, #tpu.memory_space<vmem>>
    %dma_wait3A_247 = arith.constant 0 : i32
    %dma_wait3A_248 = tpu.memref_slice %arg5[%dma_wait3A_240, %dma_wait3A_247] : memref<512x50xi32, #tpu.memory_space<vmem>> -> memref<1x50xi32, #tpu.memory_space<vmem>>
    %dma_wait3A_249 = tpu.memref_squeeze %dma_wait3A_248 : memref<1x50xi32, #tpu.memory_space<vmem>> -> memref<50xi32, #tpu.memory_space<vmem>>
    %dma_wait3A_250 = arith.constant 0 : i32
    %dma_wait3A_251 = arith.constant 0 : i32
    %dma_wait3A_252 = tpu.memref_slice %arg2[%dma_wait3A_250, %dma_wait3A_251] : memref<1000000x128xf32, #tpu.memory_space<hbm>> -> memref<1000000x128xf32, #tpu.memory_space<hbm>>
    tpu.wait_indirect_dma semaphore(%arg7 : memref<!tpu.dma_semaphore, #tpu.memory_space<semaphore_mem>>) src(%dma_wait3A_252 : memref<1000000x128xf32, #tpu.memory_space<hbm>>) dst(%dma_wait3A_246 : memref<50x128xf32, #tpu.memory_space<vmem>>)
    %dma_wait3A_253 = arith.constant 0 : i32
    %dma_wait3A_254 = arith.constant 0 : i32
    %dma_wait3A_255 = arith.constant 3 : i32
    %dma_wait3A_256 = arith.constant 0 : i32
    %dma_wait3A_257 = arith.constant 0 : i32
    %dma_wait3A_258 = tpu.memref_slice %arg6[%dma_wait3A_254, %dma_wait3A_255, %dma_wait3A_256, %dma_wait3A_257] : memref<2x8x50x128xf32, #tpu.memory_space<vmem>> -> memref<1x1x50x128xf32, #tpu.memory_space<vmem>>
    %dma_wait3A_259 = tpu.memref_squeeze %dma_wait3A_258 : memref<1x1x50x128xf32, #tpu.memory_space<vmem>> -> memref<50x128xf32, #tpu.memory_space<vmem>>
    %dma_wait3A_260 = arith.constant 0 : i32
    %dma_wait3A_261 = tpu.memref_slice %arg5[%dma_wait3A_253, %dma_wait3A_260] : memref<512x50xi32, #tpu.memory_space<vmem>> -> memref<1x50xi32, #tpu.memory_space<vmem>>
    %dma_wait3A_262 = tpu.memref_squeeze %dma_wait3A_261 : memref<1x50xi32, #tpu.memory_space<vmem>> -> memref<50xi32, #tpu.memory_space<vmem>>
    %dma_wait3A_263 = arith.constant 0 : i32
    %dma_wait3A_264 = arith.constant 0 : i32
    %dma_wait3A_265 = tpu.memref_slice %arg2[%dma_wait3A_263, %dma_wait3A_264] : memref<1000000x128xf32, #tpu.memory_space<hbm>> -> memref<1000000x128xf32, #tpu.memory_space<hbm>>
    tpu.wait_indirect_dma semaphore(%arg7 : memref<!tpu.dma_semaphore, #tpu.memory_space<semaphore_mem>>) src(%dma_wait3A_265 : memref<1000000x128xf32, #tpu.memory_space<hbm>>) dst(%dma_wait3A_259 : memref<50x128xf32, #tpu.memory_space<vmem>>)
    %dma_wait3A_266 = arith.constant 0 : i32
    %dma_wait3A_267 = arith.constant 0 : i32
    %dma_wait3A_268 = arith.constant 4 : i32
    %dma_wait3A_269 = arith.constant 0 : i32
    %dma_wait3A_270 = arith.constant 0 : i32
    %dma_wait3A_271 = tpu.memref_slice %arg6[%dma_wait3A_267, %dma_wait3A_268, %dma_wait3A_269, %dma_wait3A_270] : memref<2x8x50x128xf32, #tpu.memory_space<vmem>> -> memref<1x1x50x128xf32, #tpu.memory_space<vmem>>
    %dma_wait3A_272 = tpu.memref_squeeze %dma_wait3A_271 : memref<1x1x50x128xf32, #tpu.memory_space<vmem>> -> memref<50x128xf32, #tpu.memory_space<vmem>>
    %dma_wait3A_273 = arith.constant 0 : i32
    %dma_wait3A_274 = tpu.memref_slice %arg5[%dma_wait3A_266, %dma_wait3A_273] : memref<512x50xi32, #tpu.memory_space<vmem>> -> memref<1x50xi32, #tpu.memory_space<vmem>>
    %dma_wait3A_275 = tpu.memref_squeeze %dma_wait3A_274 : memref<1x50xi32, #tpu.memory_space<vmem>> -> memref<50xi32, #tpu.memory_space<vmem>>
    %dma_wait3A_276 = arith.constant 0 : i32
    %dma_wait3A_277 = arith.constant 0 : i32
    %dma_wait3A_278 = tpu.memref_slice %arg2[%dma_wait3A_276, %dma_wait3A_277] : memref<1000000x128xf32, #tpu.memory_space<hbm>> -> memref<1000000x128xf32, #tpu.memory_space<hbm>>
    tpu.wait_indirect_dma semaphore(%arg7 : memref<!tpu.dma_semaphore, #tpu.memory_space<semaphore_mem>>) src(%dma_wait3A_278 : memref<1000000x128xf32, #tpu.memory_space<hbm>>) dst(%dma_wait3A_272 : memref<50x128xf32, #tpu.memory_space<vmem>>)
    %dma_wait3A_279 = arith.constant 0 : i32
    %dma_wait3A_280 = arith.constant 0 : i32
    %dma_wait3A_281 = arith.constant 5 : i32
    %dma_wait3A_282 = arith.constant 0 : i32
    %dma_wait3A_283 = arith.constant 0 : i32
    %dma_wait3A_284 = tpu.memref_slice %arg6[%dma_wait3A_280, %dma_wait3A_281, %dma_wait3A_282, %dma_wait3A_283] : memref<2x8x50x128xf32, #tpu.memory_space<vmem>> -> memref<1x1x50x128xf32, #tpu.memory_space<vmem>>
    %dma_wait3A_285 = tpu.memref_squeeze %dma_wait3A_284 : memref<1x1x50x128xf32, #tpu.memory_space<vmem>> -> memref<50x128xf32, #tpu.memory_space<vmem>>
    %dma_wait3A_286 = arith.constant 0 : i32
    %dma_wait3A_287 = tpu.memref_slice %arg5[%dma_wait3A_279, %dma_wait3A_286] : memref<512x50xi32, #tpu.memory_space<vmem>> -> memref<1x50xi32, #tpu.memory_space<vmem>>
    %dma_wait3A_288 = tpu.memref_squeeze %dma_wait3A_287 : memref<1x50xi32, #tpu.memory_space<vmem>> -> memref<50xi32, #tpu.memory_space<vmem>>
    %dma_wait3A_289 = arith.constant 0 : i32
    %dma_wait3A_290 = arith.constant 0 : i32
    %dma_wait3A_291 = tpu.memref_slice %arg2[%dma_wait3A_289, %dma_wait3A_290] : memref<1000000x128xf32, #tpu.memory_space<hbm>> -> memref<1000000x128xf32, #tpu.memory_space<hbm>>
    tpu.wait_indirect_dma semaphore(%arg7 : memref<!tpu.dma_semaphore, #tpu.memory_space<semaphore_mem>>) src(%dma_wait3A_291 : memref<1000000x128xf32, #tpu.memory_space<hbm>>) dst(%dma_wait3A_285 : memref<50x128xf32, #tpu.memory_space<vmem>>)
    %dma_wait3A_292 = arith.constant 0 : i32
    %dma_wait3A_293 = arith.constant 0 : i32
    %dma_wait3A_294 = arith.constant 6 : i32
    %dma_wait3A_295 = arith.constant 0 : i32
    %dma_wait3A_296 = arith.constant 0 : i32
    %dma_wait3A_297 = tpu.memref_slice %arg6[%dma_wait3A_293, %dma_wait3A_294, %dma_wait3A_295, %dma_wait3A_296] : memref<2x8x50x128xf32, #tpu.memory_space<vmem>> -> memref<1x1x50x128xf32, #tpu.memory_space<vmem>>
    %dma_wait3A_298 = tpu.memref_squeeze %dma_wait3A_297 : memref<1x1x50x128xf32, #tpu.memory_space<vmem>> -> memref<50x128xf32, #tpu.memory_space<vmem>>
    %dma_wait3A_299 = arith.constant 0 : i32
    %dma_wait3A_300 = tpu.memref_slice %arg5[%dma_wait3A_292, %dma_wait3A_299] : memref<512x50xi32, #tpu.memory_space<vmem>> -> memref<1x50xi32, #tpu.memory_space<vmem>>
    %dma_wait3A_301 = tpu.memref_squeeze %dma_wait3A_300 : memref<1x50xi32, #tpu.memory_space<vmem>> -> memref<50xi32, #tpu.memory_space<vmem>>
    %dma_wait3A_302 = arith.constant 0 : i32
    %dma_wait3A_303 = arith.constant 0 : i32
    %dma_wait3A_304 = tpu.memref_slice %arg2[%dma_wait3A_302, %dma_wait3A_303] : memref<1000000x128xf32, #tpu.memory_space<hbm>> -> memref<1000000x128xf32, #tpu.memory_space<hbm>>
    tpu.wait_indirect_dma semaphore(%arg7 : memref<!tpu.dma_semaphore, #tpu.memory_space<semaphore_mem>>) src(%dma_wait3A_304 : memref<1000000x128xf32, #tpu.memory_space<hbm>>) dst(%dma_wait3A_298 : memref<50x128xf32, #tpu.memory_space<vmem>>)
    %dma_wait3A_305 = arith.constant 0 : i32
    %dma_wait3A_306 = arith.constant 0 : i32
    %dma_wait3A_307 = arith.constant 7 : i32
    %dma_wait3A_308 = arith.constant 0 : i32
    %dma_wait3A_309 = arith.constant 0 : i32
    %dma_wait3A_310 = tpu.memref_slice %arg6[%dma_wait3A_306, %dma_wait3A_307, %dma_wait3A_308, %dma_wait3A_309] : memref<2x8x50x128xf32, #tpu.memory_space<vmem>> -> memref<1x1x50x128xf32, #tpu.memory_space<vmem>>
    %dma_wait3A_311 = tpu.memref_squeeze %dma_wait3A_310 : memref<1x1x50x128xf32, #tpu.memory_space<vmem>> -> memref<50x128xf32, #tpu.memory_space<vmem>>
    %dma_wait3A_312 = arith.constant 0 : i32
    %dma_wait3A_313 = tpu.memref_slice %arg5[%dma_wait3A_305, %dma_wait3A_312] : memref<512x50xi32, #tpu.memory_space<vmem>> -> memref<1x50xi32, #tpu.memory_space<vmem>>
    %dma_wait3A_314 = tpu.memref_squeeze %dma_wait3A_313 : memref<1x50xi32, #tpu.memory_space<vmem>> -> memref<50xi32, #tpu.memory_space<vmem>>
    %dma_wait3A_315 = arith.constant 0 : i32
    %dma_wait3A_316 = arith.constant 0 : i32
    %dma_wait3A_317 = tpu.memref_slice %arg2[%dma_wait3A_315, %dma_wait3A_316] : memref<1000000x128xf32, #tpu.memory_space<hbm>> -> memref<1000000x128xf32, #tpu.memory_space<hbm>>
    tpu.wait_indirect_dma semaphore(%arg7 : memref<!tpu.dma_semaphore, #tpu.memory_space<semaphore_mem>>) src(%dma_wait3A_317 : memref<1000000x128xf32, #tpu.memory_space<hbm>>) dst(%dma_wait3A_311 : memref<50x128xf32, #tpu.memory_space<vmem>>)
    %add3A_318 = arith.constant 496 : i32
    %add3A_319 = arith.addi %mul3A_2, %add3A_318 : i32
    %dma_start3A_320 = arith.constant 0 : i32
    %dma_start3A_321 = arith.constant 0 : i32
    %dma_start3A_322 = arith.constant 0 : i32
    %dma_start3A_323 = arith.constant 0 : i32
    %dma_start3A_324 = tpu.memref_slice %arg6[%dma_start3A_320, %dma_start3A_321, %dma_start3A_322, %dma_start3A_323] : memref<2x8x50x128xf32, #tpu.memory_space<vmem>> -> memref<1x8x50x128xf32, #tpu.memory_space<vmem>>
    %dma_start3A_325 = tpu.memref_squeeze %dma_start3A_324 : memref<1x8x50x128xf32, #tpu.memory_space<vmem>> -> memref<8x50x128xf32, #tpu.memory_space<vmem>>
    %dma_start3A_326 = arith.constant 0 : i32
    %dma_start3A_327 = arith.constant 0 : i32
    %dma_start3A_328 = tpu.memref_slice %arg4[%add3A_319, %dma_start3A_326, %dma_start3A_327] : memref<16384x56x128xf32, #tpu.memory_space<hbm>> -> memref<8x50x128xf32, #tpu.memory_space<hbm>>
    %dma_start3A_329 = arith.constant 0 : i32
    %dma_start3A_330 = arith.constant 0 : i32
    %dma_start3A_331 = tpu.memref_slice %arg4[%add3A_319, %dma_start3A_329, %dma_start3A_330] : memref<16384x56x128xf32, #tpu.memory_space<hbm>> -> memref<8x50x128xf32, #tpu.memory_space<hbm>>
    %dma_start3A_332 = arith.constant 0 : i32
    %dma_start3A_333 = arith.constant 0 : i32
    %dma_start3A_334 = arith.constant 0 : i32
    %dma_start3A_335 = tpu.memref_slice %arg6[%dma_start3A_320, %dma_start3A_332, %dma_start3A_333, %dma_start3A_334] : memref<2x8x50x128xf32, #tpu.memory_space<vmem>> -> memref<1x8x50x128xf32, #tpu.memory_space<vmem>>
    %dma_start3A_336 = tpu.memref_squeeze %dma_start3A_335 : memref<1x8x50x128xf32, #tpu.memory_space<vmem>> -> memref<8x50x128xf32, #tpu.memory_space<vmem>>
    tpu.enqueue_dma source(%dma_start3A_336 : memref<8x50x128xf32, #tpu.memory_space<vmem>>) target(%dma_start3A_331 : memref<8x50x128xf32, #tpu.memory_space<hbm>>) target_semaphore(%arg8 : memref<!tpu.dma_semaphore, #tpu.memory_space<semaphore_mem>>)
    %dma_wait3A_337 = arith.constant 0 : i32
    %dma_wait3A_338 = arith.constant 1 : i32
    %dma_wait3A_339 = arith.constant 0 : i32
    %dma_wait3A_340 = arith.constant 0 : i32
    %dma_wait3A_341 = arith.constant 0 : i32
    %dma_wait3A_342 = tpu.memref_slice %arg6[%dma_wait3A_338, %dma_wait3A_339, %dma_wait3A_340, %dma_wait3A_341] : memref<2x8x50x128xf32, #tpu.memory_space<vmem>> -> memref<1x1x50x128xf32, #tpu.memory_space<vmem>>
    %dma_wait3A_343 = tpu.memref_squeeze %dma_wait3A_342 : memref<1x1x50x128xf32, #tpu.memory_space<vmem>> -> memref<50x128xf32, #tpu.memory_space<vmem>>
    %dma_wait3A_344 = arith.constant 0 : i32
    %dma_wait3A_345 = tpu.memref_slice %arg5[%dma_wait3A_337, %dma_wait3A_344] : memref<512x50xi32, #tpu.memory_space<vmem>> -> memref<1x50xi32, #tpu.memory_space<vmem>>
    %dma_wait3A_346 = tpu.memref_squeeze %dma_wait3A_345 : memref<1x50xi32, #tpu.memory_space<vmem>> -> memref<50xi32, #tpu.memory_space<vmem>>
    %dma_wait3A_347 = arith.constant 0 : i32
    %dma_wait3A_348 = arith.constant 0 : i32
    %dma_wait3A_349 = tpu.memref_slice %arg2[%dma_wait3A_347, %dma_wait3A_348] : memref<1000000x128xf32, #tpu.memory_space<hbm>> -> memref<1000000x128xf32, #tpu.memory_space<hbm>>
    tpu.wait_indirect_dma semaphore(%arg7 : memref<!tpu.dma_semaphore, #tpu.memory_space<semaphore_mem>>) src(%dma_wait3A_349 : memref<1000000x128xf32, #tpu.memory_space<hbm>>) dst(%dma_wait3A_343 : memref<50x128xf32, #tpu.memory_space<vmem>>)
    %dma_wait3A_350 = arith.constant 0 : i32
    %dma_wait3A_351 = arith.constant 1 : i32
    %dma_wait3A_352 = arith.constant 1 : i32
    %dma_wait3A_353 = arith.constant 0 : i32
    %dma_wait3A_354 = arith.constant 0 : i32
    %dma_wait3A_355 = tpu.memref_slice %arg6[%dma_wait3A_351, %dma_wait3A_352, %dma_wait3A_353, %dma_wait3A_354] : memref<2x8x50x128xf32, #tpu.memory_space<vmem>> -> memref<1x1x50x128xf32, #tpu.memory_space<vmem>>
    %dma_wait3A_356 = tpu.memref_squeeze %dma_wait3A_355 : memref<1x1x50x128xf32, #tpu.memory_space<vmem>> -> memref<50x128xf32, #tpu.memory_space<vmem>>
    %dma_wait3A_357 = arith.constant 0 : i32
    %dma_wait3A_358 = tpu.memref_slice %arg5[%dma_wait3A_350, %dma_wait3A_357] : memref<512x50xi32, #tpu.memory_space<vmem>> -> memref<1x50xi32, #tpu.memory_space<vmem>>
    %dma_wait3A_359 = tpu.memref_squeeze %dma_wait3A_358 : memref<1x50xi32, #tpu.memory_space<vmem>> -> memref<50xi32, #tpu.memory_space<vmem>>
    %dma_wait3A_360 = arith.constant 0 : i32
    %dma_wait3A_361 = arith.constant 0 : i32
    %dma_wait3A_362 = tpu.memref_slice %arg2[%dma_wait3A_360, %dma_wait3A_361] : memref<1000000x128xf32, #tpu.memory_space<hbm>> -> memref<1000000x128xf32, #tpu.memory_space<hbm>>
    tpu.wait_indirect_dma semaphore(%arg7 : memref<!tpu.dma_semaphore, #tpu.memory_space<semaphore_mem>>) src(%dma_wait3A_362 : memref<1000000x128xf32, #tpu.memory_space<hbm>>) dst(%dma_wait3A_356 : memref<50x128xf32, #tpu.memory_space<vmem>>)
    %dma_wait3A_363 = arith.constant 0 : i32
    %dma_wait3A_364 = arith.constant 1 : i32
    %dma_wait3A_365 = arith.constant 2 : i32
    %dma_wait3A_366 = arith.constant 0 : i32
    %dma_wait3A_367 = arith.constant 0 : i32
    %dma_wait3A_368 = tpu.memref_slice %arg6[%dma_wait3A_364, %dma_wait3A_365, %dma_wait3A_366, %dma_wait3A_367] : memref<2x8x50x128xf32, #tpu.memory_space<vmem>> -> memref<1x1x50x128xf32, #tpu.memory_space<vmem>>
    %dma_wait3A_369 = tpu.memref_squeeze %dma_wait3A_368 : memref<1x1x50x128xf32, #tpu.memory_space<vmem>> -> memref<50x128xf32, #tpu.memory_space<vmem>>
    %dma_wait3A_370 = arith.constant 0 : i32
    %dma_wait3A_371 = tpu.memref_slice %arg5[%dma_wait3A_363, %dma_wait3A_370] : memref<512x50xi32, #tpu.memory_space<vmem>> -> memref<1x50xi32, #tpu.memory_space<vmem>>
    %dma_wait3A_372 = tpu.memref_squeeze %dma_wait3A_371 : memref<1x50xi32, #tpu.memory_space<vmem>> -> memref<50xi32, #tpu.memory_space<vmem>>
    %dma_wait3A_373 = arith.constant 0 : i32
    %dma_wait3A_374 = arith.constant 0 : i32
    %dma_wait3A_375 = tpu.memref_slice %arg2[%dma_wait3A_373, %dma_wait3A_374] : memref<1000000x128xf32, #tpu.memory_space<hbm>> -> memref<1000000x128xf32, #tpu.memory_space<hbm>>
    tpu.wait_indirect_dma semaphore(%arg7 : memref<!tpu.dma_semaphore, #tpu.memory_space<semaphore_mem>>) src(%dma_wait3A_375 : memref<1000000x128xf32, #tpu.memory_space<hbm>>) dst(%dma_wait3A_369 : memref<50x128xf32, #tpu.memory_space<vmem>>)
    %dma_wait3A_376 = arith.constant 0 : i32
    %dma_wait3A_377 = arith.constant 1 : i32
    %dma_wait3A_378 = arith.constant 3 : i32
    %dma_wait3A_379 = arith.constant 0 : i32
    %dma_wait3A_380 = arith.constant 0 : i32
    %dma_wait3A_381 = tpu.memref_slice %arg6[%dma_wait3A_377, %dma_wait3A_378, %dma_wait3A_379, %dma_wait3A_380] : memref<2x8x50x128xf32, #tpu.memory_space<vmem>> -> memref<1x1x50x128xf32, #tpu.memory_space<vmem>>
    %dma_wait3A_382 = tpu.memref_squeeze %dma_wait3A_381 : memref<1x1x50x128xf32, #tpu.memory_space<vmem>> -> memref<50x128xf32, #tpu.memory_space<vmem>>
    %dma_wait3A_383 = arith.constant 0 : i32
    %dma_wait3A_384 = tpu.memref_slice %arg5[%dma_wait3A_376, %dma_wait3A_383] : memref<512x50xi32, #tpu.memory_space<vmem>> -> memref<1x50xi32, #tpu.memory_space<vmem>>
    %dma_wait3A_385 = tpu.memref_squeeze %dma_wait3A_384 : memref<1x50xi32, #tpu.memory_space<vmem>> -> memref<50xi32, #tpu.memory_space<vmem>>
    %dma_wait3A_386 = arith.constant 0 : i32
    %dma_wait3A_387 = arith.constant 0 : i32
    %dma_wait3A_388 = tpu.memref_slice %arg2[%dma_wait3A_386, %dma_wait3A_387] : memref<1000000x128xf32, #tpu.memory_space<hbm>> -> memref<1000000x128xf32, #tpu.memory_space<hbm>>
    tpu.wait_indirect_dma semaphore(%arg7 : memref<!tpu.dma_semaphore, #tpu.memory_space<semaphore_mem>>) src(%dma_wait3A_388 : memref<1000000x128xf32, #tpu.memory_space<hbm>>) dst(%dma_wait3A_382 : memref<50x128xf32, #tpu.memory_space<vmem>>)
    %dma_wait3A_389 = arith.constant 0 : i32
    %dma_wait3A_390 = arith.constant 1 : i32
    %dma_wait3A_391 = arith.constant 4 : i32
    %dma_wait3A_392 = arith.constant 0 : i32
    %dma_wait3A_393 = arith.constant 0 : i32
    %dma_wait3A_394 = tpu.memref_slice %arg6[%dma_wait3A_390, %dma_wait3A_391, %dma_wait3A_392, %dma_wait3A_393] : memref<2x8x50x128xf32, #tpu.memory_space<vmem>> -> memref<1x1x50x128xf32, #tpu.memory_space<vmem>>
    %dma_wait3A_395 = tpu.memref_squeeze %dma_wait3A_394 : memref<1x1x50x128xf32, #tpu.memory_space<vmem>> -> memref<50x128xf32, #tpu.memory_space<vmem>>
    %dma_wait3A_396 = arith.constant 0 : i32
    %dma_wait3A_397 = tpu.memref_slice %arg5[%dma_wait3A_389, %dma_wait3A_396] : memref<512x50xi32, #tpu.memory_space<vmem>> -> memref<1x50xi32, #tpu.memory_space<vmem>>
    %dma_wait3A_398 = tpu.memref_squeeze %dma_wait3A_397 : memref<1x50xi32, #tpu.memory_space<vmem>> -> memref<50xi32, #tpu.memory_space<vmem>>
    %dma_wait3A_399 = arith.constant 0 : i32
    %dma_wait3A_400 = arith.constant 0 : i32
    %dma_wait3A_401 = tpu.memref_slice %arg2[%dma_wait3A_399, %dma_wait3A_400] : memref<1000000x128xf32, #tpu.memory_space<hbm>> -> memref<1000000x128xf32, #tpu.memory_space<hbm>>
    tpu.wait_indirect_dma semaphore(%arg7 : memref<!tpu.dma_semaphore, #tpu.memory_space<semaphore_mem>>) src(%dma_wait3A_401 : memref<1000000x128xf32, #tpu.memory_space<hbm>>) dst(%dma_wait3A_395 : memref<50x128xf32, #tpu.memory_space<vmem>>)
    %dma_wait3A_402 = arith.constant 0 : i32
    %dma_wait3A_403 = arith.constant 1 : i32
    %dma_wait3A_404 = arith.constant 5 : i32
    %dma_wait3A_405 = arith.constant 0 : i32
    %dma_wait3A_406 = arith.constant 0 : i32
    %dma_wait3A_407 = tpu.memref_slice %arg6[%dma_wait3A_403, %dma_wait3A_404, %dma_wait3A_405, %dma_wait3A_406] : memref<2x8x50x128xf32, #tpu.memory_space<vmem>> -> memref<1x1x50x128xf32, #tpu.memory_space<vmem>>
    %dma_wait3A_408 = tpu.memref_squeeze %dma_wait3A_407 : memref<1x1x50x128xf32, #tpu.memory_space<vmem>> -> memref<50x128xf32, #tpu.memory_space<vmem>>
    %dma_wait3A_409 = arith.constant 0 : i32
    %dma_wait3A_410 = tpu.memref_slice %arg5[%dma_wait3A_402, %dma_wait3A_409] : memref<512x50xi32, #tpu.memory_space<vmem>> -> memref<1x50xi32, #tpu.memory_space<vmem>>
    %dma_wait3A_411 = tpu.memref_squeeze %dma_wait3A_410 : memref<1x50xi32, #tpu.memory_space<vmem>> -> memref<50xi32, #tpu.memory_space<vmem>>
    %dma_wait3A_412 = arith.constant 0 : i32
    %dma_wait3A_413 = arith.constant 0 : i32
    %dma_wait3A_414 = tpu.memref_slice %arg2[%dma_wait3A_412, %dma_wait3A_413] : memref<1000000x128xf32, #tpu.memory_space<hbm>> -> memref<1000000x128xf32, #tpu.memory_space<hbm>>
    tpu.wait_indirect_dma semaphore(%arg7 : memref<!tpu.dma_semaphore, #tpu.memory_space<semaphore_mem>>) src(%dma_wait3A_414 : memref<1000000x128xf32, #tpu.memory_space<hbm>>) dst(%dma_wait3A_408 : memref<50x128xf32, #tpu.memory_space<vmem>>)
    %dma_wait3A_415 = arith.constant 0 : i32
    %dma_wait3A_416 = arith.constant 1 : i32
    %dma_wait3A_417 = arith.constant 6 : i32
    %dma_wait3A_418 = arith.constant 0 : i32
    %dma_wait3A_419 = arith.constant 0 : i32
    %dma_wait3A_420 = tpu.memref_slice %arg6[%dma_wait3A_416, %dma_wait3A_417, %dma_wait3A_418, %dma_wait3A_419] : memref<2x8x50x128xf32, #tpu.memory_space<vmem>> -> memref<1x1x50x128xf32, #tpu.memory_space<vmem>>
    %dma_wait3A_421 = tpu.memref_squeeze %dma_wait3A_420 : memref<1x1x50x128xf32, #tpu.memory_space<vmem>> -> memref<50x128xf32, #tpu.memory_space<vmem>>
    %dma_wait3A_422 = arith.constant 0 : i32
    %dma_wait3A_423 = tpu.memref_slice %arg5[%dma_wait3A_415, %dma_wait3A_422] : memref<512x50xi32, #tpu.memory_space<vmem>> -> memref<1x50xi32, #tpu.memory_space<vmem>>
    %dma_wait3A_424 = tpu.memref_squeeze %dma_wait3A_423 : memref<1x50xi32, #tpu.memory_space<vmem>> -> memref<50xi32, #tpu.memory_space<vmem>>
    %dma_wait3A_425 = arith.constant 0 : i32
    %dma_wait3A_426 = arith.constant 0 : i32
    %dma_wait3A_427 = tpu.memref_slice %arg2[%dma_wait3A_425, %dma_wait3A_426] : memref<1000000x128xf32, #tpu.memory_space<hbm>> -> memref<1000000x128xf32, #tpu.memory_space<hbm>>
    tpu.wait_indirect_dma semaphore(%arg7 : memref<!tpu.dma_semaphore, #tpu.memory_space<semaphore_mem>>) src(%dma_wait3A_427 : memref<1000000x128xf32, #tpu.memory_space<hbm>>) dst(%dma_wait3A_421 : memref<50x128xf32, #tpu.memory_space<vmem>>)
    %dma_wait3A_428 = arith.constant 0 : i32
    %dma_wait3A_429 = arith.constant 1 : i32
    %dma_wait3A_430 = arith.constant 7 : i32
    %dma_wait3A_431 = arith.constant 0 : i32
    %dma_wait3A_432 = arith.constant 0 : i32
    %dma_wait3A_433 = tpu.memref_slice %arg6[%dma_wait3A_429, %dma_wait3A_430, %dma_wait3A_431, %dma_wait3A_432] : memref<2x8x50x128xf32, #tpu.memory_space<vmem>> -> memref<1x1x50x128xf32, #tpu.memory_space<vmem>>
    %dma_wait3A_434 = tpu.memref_squeeze %dma_wait3A_433 : memref<1x1x50x128xf32, #tpu.memory_space<vmem>> -> memref<50x128xf32, #tpu.memory_space<vmem>>
    %dma_wait3A_435 = arith.constant 0 : i32
    %dma_wait3A_436 = tpu.memref_slice %arg5[%dma_wait3A_428, %dma_wait3A_435] : memref<512x50xi32, #tpu.memory_space<vmem>> -> memref<1x50xi32, #tpu.memory_space<vmem>>
    %dma_wait3A_437 = tpu.memref_squeeze %dma_wait3A_436 : memref<1x50xi32, #tpu.memory_space<vmem>> -> memref<50xi32, #tpu.memory_space<vmem>>
    %dma_wait3A_438 = arith.constant 0 : i32
    %dma_wait3A_439 = arith.constant 0 : i32
    %dma_wait3A_440 = tpu.memref_slice %arg2[%dma_wait3A_438, %dma_wait3A_439] : memref<1000000x128xf32, #tpu.memory_space<hbm>> -> memref<1000000x128xf32, #tpu.memory_space<hbm>>
    tpu.wait_indirect_dma semaphore(%arg7 : memref<!tpu.dma_semaphore, #tpu.memory_space<semaphore_mem>>) src(%dma_wait3A_440 : memref<1000000x128xf32, #tpu.memory_space<hbm>>) dst(%dma_wait3A_434 : memref<50x128xf32, #tpu.memory_space<vmem>>)
    %add3A_441 = arith.constant 504 : i32
    %add3A_442 = arith.addi %mul3A_2, %add3A_441 : i32
    %dma_start3A_443 = arith.constant 1 : i32
    %dma_start3A_444 = arith.constant 0 : i32
    %dma_start3A_445 = arith.constant 0 : i32
    %dma_start3A_446 = arith.constant 0 : i32
    %dma_start3A_447 = tpu.memref_slice %arg6[%dma_start3A_443, %dma_start3A_444, %dma_start3A_445, %dma_start3A_446] : memref<2x8x50x128xf32, #tpu.memory_space<vmem>> -> memref<1x8x50x128xf32, #tpu.memory_space<vmem>>
    %dma_start3A_448 = tpu.memref_squeeze %dma_start3A_447 : memref<1x8x50x128xf32, #tpu.memory_space<vmem>> -> memref<8x50x128xf32, #tpu.memory_space<vmem>>
    %dma_start3A_449 = arith.constant 0 : i32
    %dma_start3A_450 = arith.constant 0 : i32
    %dma_start3A_451 = tpu.memref_slice %arg4[%add3A_442, %dma_start3A_449, %dma_start3A_450] : memref<16384x56x128xf32, #tpu.memory_space<hbm>> -> memref<8x50x128xf32, #tpu.memory_space<hbm>>
    %dma_start3A_452 = arith.constant 0 : i32
    %dma_start3A_453 = arith.constant 0 : i32
    %dma_start3A_454 = tpu.memref_slice %arg4[%add3A_442, %dma_start3A_452, %dma_start3A_453] : memref<16384x56x128xf32, #tpu.memory_space<hbm>> -> memref<8x50x128xf32, #tpu.memory_space<hbm>>
    %dma_start3A_455 = arith.constant 0 : i32
    %dma_start3A_456 = arith.constant 0 : i32
    %dma_start3A_457 = arith.constant 0 : i32
    %dma_start3A_458 = tpu.memref_slice %arg6[%dma_start3A_443, %dma_start3A_455, %dma_start3A_456, %dma_start3A_457] : memref<2x8x50x128xf32, #tpu.memory_space<vmem>> -> memref<1x8x50x128xf32, #tpu.memory_space<vmem>>
    %dma_start3A_459 = tpu.memref_squeeze %dma_start3A_458 : memref<1x8x50x128xf32, #tpu.memory_space<vmem>> -> memref<8x50x128xf32, #tpu.memory_space<vmem>>
    tpu.enqueue_dma source(%dma_start3A_459 : memref<8x50x128xf32, #tpu.memory_space<vmem>>) target(%dma_start3A_454 : memref<8x50x128xf32, #tpu.memory_space<hbm>>) target_semaphore(%arg8 : memref<!tpu.dma_semaphore, #tpu.memory_space<semaphore_mem>>)
    %dma_wait3A_460 = arith.constant 0 : i32
    %dma_wait3A_461 = arith.constant 0 : i32
    %dma_wait3A_462 = arith.constant 0 : i32
    %dma_wait3A_463 = arith.constant 0 : i32
    %dma_wait3A_464 = tpu.memref_slice %arg6[%dma_wait3A_460, %dma_wait3A_461, %dma_wait3A_462, %dma_wait3A_463] : memref<2x8x50x128xf32, #tpu.memory_space<vmem>> -> memref<1x8x50x128xf32, #tpu.memory_space<vmem>>
    %dma_wait3A_465 = tpu.memref_squeeze %dma_wait3A_464 : memref<1x8x50x128xf32, #tpu.memory_space<vmem>> -> memref<8x50x128xf32, #tpu.memory_space<vmem>>
    %dma_wait3A_466 = arith.constant 0 : i32
    %dma_wait3A_467 = arith.constant 0 : i32
    %dma_wait3A_468 = tpu.memref_slice %arg4[%mul3A_2, %dma_wait3A_466, %dma_wait3A_467] : memref<16384x56x128xf32, #tpu.memory_space<hbm>> -> memref<8x50x128xf32, #tpu.memory_space<hbm>>
    %dma_wait3A_469 = arith.constant 0 : i32
    %dma_wait3A_470 = arith.constant 0 : i32
    %dma_wait3A_471 = tpu.memref_slice %arg4[%mul3A_2, %dma_wait3A_469, %dma_wait3A_470] : memref<16384x56x128xf32, #tpu.memory_space<hbm>> -> memref<8x50x128xf32, #tpu.memory_space<hbm>>
    %dma_wait3A_472 = arith.constant 0 : i32
    %dma_wait3A_473 = arith.constant 0 : i32
    %dma_wait3A_474 = arith.constant 0 : i32
    %dma_wait3A_475 = tpu.memref_slice %arg6[%dma_wait3A_460, %dma_wait3A_472, %dma_wait3A_473, %dma_wait3A_474] : memref<2x8x50x128xf32, #tpu.memory_space<vmem>> -> memref<1x8x50x128xf32, #tpu.memory_space<vmem>>
    %dma_wait3A_476 = tpu.memref_squeeze %dma_wait3A_475 : memref<1x8x50x128xf32, #tpu.memory_space<vmem>> -> memref<8x50x128xf32, #tpu.memory_space<vmem>>
    tpu.wait_dma2 semaphore(%arg8 : memref<!tpu.dma_semaphore, #tpu.memory_space<semaphore_mem>>) src(%dma_wait3A_476 : memref<8x50x128xf32, #tpu.memory_space<vmem>>) dst(%dma_wait3A_471 : memref<8x50x128xf32, #tpu.memory_space<hbm>>)
    %dma_wait3A_477 = arith.constant 1 : i32
    %dma_wait3A_478 = arith.constant 0 : i32
    %dma_wait3A_479 = arith.constant 0 : i32
    %dma_wait3A_480 = arith.constant 0 : i32
    %dma_wait3A_481 = tpu.memref_slice %arg6[%dma_wait3A_477, %dma_wait3A_478, %dma_wait3A_479, %dma_wait3A_480] : memref<2x8x50x128xf32, #tpu.memory_space<vmem>> -> memref<1x8x50x128xf32, #tpu.memory_space<vmem>>
    %dma_wait3A_482 = tpu.memref_squeeze %dma_wait3A_481 : memref<1x8x50x128xf32, #tpu.memory_space<vmem>> -> memref<8x50x128xf32, #tpu.memory_space<vmem>>
    %dma_wait3A_483 = arith.constant 0 : i32
    %dma_wait3A_484 = arith.constant 0 : i32
    %dma_wait3A_485 = tpu.memref_slice %arg4[%mul3A_2, %dma_wait3A_483, %dma_wait3A_484] : memref<16384x56x128xf32, #tpu.memory_space<hbm>> -> memref<8x50x128xf32, #tpu.memory_space<hbm>>
    %dma_wait3A_486 = arith.constant 0 : i32
    %dma_wait3A_487 = arith.constant 0 : i32
    %dma_wait3A_488 = tpu.memref_slice %arg4[%mul3A_2, %dma_wait3A_486, %dma_wait3A_487] : memref<16384x56x128xf32, #tpu.memory_space<hbm>> -> memref<8x50x128xf32, #tpu.memory_space<hbm>>
    %dma_wait3A_489 = arith.constant 0 : i32
    %dma_wait3A_490 = arith.constant 0 : i32
    %dma_wait3A_491 = arith.constant 0 : i32
    %dma_wait3A_492 = tpu.memref_slice %arg6[%dma_wait3A_477, %dma_wait3A_489, %dma_wait3A_490, %dma_wait3A_491] : memref<2x8x50x128xf32, #tpu.memory_space<vmem>> -> memref<1x8x50x128xf32, #tpu.memory_space<vmem>>
    %dma_wait3A_493 = tpu.memref_squeeze %dma_wait3A_492 : memref<1x8x50x128xf32, #tpu.memory_space<vmem>> -> memref<8x50x128xf32, #tpu.memory_space<vmem>>
    tpu.wait_dma2 semaphore(%arg8 : memref<!tpu.dma_semaphore, #tpu.memory_space<semaphore_mem>>) src(%dma_wait3A_493 : memref<8x50x128xf32, #tpu.memory_space<vmem>>) dst(%dma_wait3A_488 : memref<8x50x128xf32, #tpu.memory_space<hbm>>)
    return
  }
}

</mosaic_0001>

<sc_bundles>
// kernel: kernel.3.cloned.1.call-start
scs
__scs_entry_jumppad:
0x0: {  	(pc) =	sbr.rel $0x88, $3  }
0x1: {  	(tag) =	ssettag $0x0;
	lr =	simm.s32 $0x1  }
0x2: {  	[smem:$0x3F9F] =	sst lr;
	_ =	strace $0xD0000000  }
0x3: {  	_ = 	snop  }
0x4: {  	_ = 	snop  }
0x5: {  	_ = 	snop  }
0x6: {  	_ = 	snop  }
0x7: {  	_ = 	snop  }
__scs_overlays_trampoline_lowered:
0x8: {  	[smem:$0x3FAE] =	sst s0  }
0x9: {  	[smem:$0x3FAF] =	sst s1  }
0xa: {  	[smem:$0x3FB0] =	sst s2  }
0xb: {  	[smem:$0x3FB1] =	sst s3  }
0xc: {  	[smem:$0x3FB2] =	sst s4  }
0xd: {  	[smem:$0x3FB3] =	sst s5  }
0xe: {  	[smem:$0x3FB4] =	sst s6  }
0xf: {  	[smem:$0x3FB5] =	sst s7  }
0x10: {  	[smem:$0x3FB6] =	sst s8  }
0x11: {  	[smem:$0x3FB7] =	sst s9;
	s0 =	simm.s32 @!p0 $0x0  }
0x12: {  	s1 =	sld [smem:$0x3F9D];
	s0 =	simm.s32 @p0 $0x1  }
0x13: {  	[smem:$0x3FB8] =	sst s0;
	s0 =	simm.s32 @!p1 $0x0  }
0x14: {  	s2 =	sld [smem:$0x3F9C];
	s0 =	simm.s32 @p1 $0x1  }
0x15: {  	[smem:$0x3FB9] =	sst s0;
	s0 =	simm.s32 @!p2 $0x0  }
0x16: {  	s3 =	sld [smem:$0x3FDB];
	s0 =	simm.s32 @p2 $0x1  }
0x17: {  	s4 =	simm.s32 $0x1BF5;
	[smem:$0x3FBB] =	sst s0  }
0x18: {  	s0 =	sld [smem:$0x3F9E];
	_ =	swait.ge [sflag:s4], $0x0  }
0x19: {  	s7 =	sld [smem:$0x3F9F]  }
0x1a: {  	s8 =	sadd.s32 $0xFFFFE003, lr  }
0x1b: {  	s9 =	sadd.s32 $0xFFFFFEF7, lr;
	s5 =	simm.s32 $0xFFFFFFFF;
	p2 =	slt.u32 s8, $0xFFFFF086  }
0x1c: {  	p1 =	slt.u32 s9, $0xF7A;
	s5 =	simm.s32 @!p2 $0x0  }
0x1d: {  	s5 =	simm.s32 @p1 $0x1;
	p0 =	seq.s32 s7, s2  }
0x1e: {  	s7 =	smul.u32 @!p0 $0xF7A, s2;
	p2 =	seq.s32 @!p0 s5, $0x0  }
0x1f: {  	s9 =	smul.u32 $0xF7A, s1;
	s8 =	simm.s32 @!p0 $0x1BF5;
	p2 =	por !p2, p0  }
0x20: {  	[sflag:s8] =	ssyncset.s32 @!p0 $0xFFFFF086;
	s6 =	sadd.s32 @!p0 s3, s7;
	s7 =	simm.s32 @!p0 $0x108  }
0x21: {  	s3 =	sadd.s32 s3, s9;
	s6 =	sadd.s32 @!p0 $0x88, s6;
	s7 =	simm.s32 @p2 $0x1082  }
0x22: {  	[simem:s7], [sflag:s8] =	dma.local @!p0 [hbm:s6], $0xF7A  }
0x23: {  	s9 =	sor.u32 $0xD0000000, s2;
	s6 =	simm.s32 $0x108;
	_ =	swait.ge @!p0 [sflag:s8], $0x0  }
0x24: {  	s3 =	sadd.s32 $0x88, s3;
	s6 =	simm.s32 @!p1 $0x1082;
	[sflag:s4] =	ssyncset.s32 $0xFFFFF086  }
0x25: {  	[simem:s6], [sflag:s4] =	dma.local [hbm:s3], $0xF7A  }
0x26: {  	[smem:$0x3F9F] =	sst s1;
	(tag) =	ssettag s2;
	_ =	strace s9  }
0x27: {  	s1 =	sld [smem:$0x3FAF]  }
0x28: {  	s2 =	sld [smem:$0x3FB0]  }
0x29: {  	s4 =	sld [smem:$0x3FB2]  }
0x2a: {  	p0 =	seq.s32 s5, $0x0;
	s5 =	sld [smem:$0x3FB3]  }
0x2b: {  	s6 =	sld [smem:$0x3FB4]  }
0x2c: {  	s7 =	sld [smem:$0x3FB5]  }
0x2d: {  	s3 =	simm.s32 $0x108;
	s8 =	sld [smem:$0x3FB6]  }
0x2e: {  	s3 =	simm.s32 @!p0 $0x1082;
	s9 =	sld [smem:$0x3FB7]  }
0x2f: {  	lr =	sadd.s32 s0, s3;
	s0 =	sld [smem:$0x3FAE]  }
0x30: {  	s3 =	sld [smem:$0x3FB1]  }
0x31: {  	[smem:$0x3FBA] =	sst s10  }
0x32: {  	s10 =	sld [smem:$0x3FB8];
	_ =	sdelay $0x3  }
0x33: {  	p0 =	seq.s32 s10, $0x1;
	s10 =	sld [smem:$0x3FBA];
	_ =	sdelay $0x3  }
0x34: {  	[smem:$0x3FBA] =	sst s10  }
0x35: {  	s10 =	sld [smem:$0x3FB9];
	_ =	sdelay $0x3  }
0x36: {  	p1 =	seq.s32 s10, $0x1;
	s10 =	sld [smem:$0x3FBA];
	_ =	sdelay $0x3  }
0x37: {  	[smem:$0x3FBA] =	sst s10  }
0x38: {  	s10 =	sld [smem:$0x3FBB]  }
0x39: {  	_ = 	snop;
	(pc) =	sbr.ind lr, $3  }
0x3a: {  	_ = 	snop  }
0x3b: {  	_ = 	snop  }
0x3c: {  	p2 =	seq.s32 s10, $0x1;
	s10 =	sld [smem:$0x3FBA]  }
0x3d: {  	_ =	shalt  }
0x3e: {  	_ =	shalt  }
0x3f: {  	_ =	shalt  }
0x40: {  	_ =	shalt  }
0x41: {  	_ =	shalt  }
0x42: {  	_ =	shalt  }
0x43: {  	_ =	shalt  }
0x44: {  	_ =	shalt  }
0x45: {  	_ =	shalt  }
0x46: {  	_ =	shalt  }
0x47: {  	_ =	shalt  }
0x48: {  	_ =	shalt  }
0x49: {  	_ =	shalt  }
0x4a: {  	_ =	shalt  }
0x4b: {  	_ =	shalt  }
0x4c: {  	_ =	shalt  }
0x4d: {  	_ =	shalt  }
0x4e: {  	_ =	shalt  }
0x4f: {  	_ =	shalt  }
0x50: {  	_ =	shalt  }
0x51: {  	_ =	shalt  }
0x52: {  	_ =	shalt  }
0x53: {  	_ =	shalt  }
0x54: {  	_ =	shalt  }
0x55: {  	_ =	shalt  }
0x56: {  	_ =	shalt  }
0x57: {  	_ =	shalt  }
0x58: {  	_ =	shalt  }
0x59: {  	_ =	shalt  }
0x5a: {  	_ =	shalt  }
0x5b: {  	_ =	shalt  }
0x5c: {  	_ =	shalt  }
0x5d: {  	_ =	shalt  }
0x5e: {  	_ =	shalt  }
0x5f: {  	_ =	shalt  }
0x60: {  	_ =	shalt  }
0x61: {  	_ =	shalt  }
0x62: {  	_ =	shalt  }
0x63: {  	_ =	shalt  }
0x64: {  	_ =	shalt  }
0x65: {  	_ =	shalt  }
0x66: {  	_ =	shalt  }
0x67: {  	_ =	shalt  }
0x68: {  	_ =	shalt  }
0x69: {  	_ =	shalt  }
0x6a: {  	_ =	shalt  }
0x6b: {  	_ =	shalt  }
0x6c: {  	_ =	shalt  }
0x6d: {  	_ =	shalt  }
0x6e: {  	_ =	shalt  }
0x6f: {  	_ =	shalt  }
0x70: {  	_ =	shalt  }
0x71: {  	_ =	shalt  }
0x72: {  	_ =	shalt  }
0x73: {  	_ =	shalt  }
0x74: {  	_ =	shalt  }
0x75: {  	_ =	shalt  }
0x76: {  	_ =	shalt  }
0x77: {  	_ =	shalt  }
0x78: {  	_ =	shalt  }
0x79: {  	_ =	shalt  }
0x7a: {  	_ =	shalt  }
0x7b: {  	_ =	shalt  }
0x7c: {  	_ =	shalt  }
0x7d: {  	_ =	shalt  }
0x7e: {  	_ =	shalt  }
0x7f: {  	_ =	shalt  }
0x80: {  	_ =	shalt  }
0x81: {  	_ =	shalt  }
0x82: {  	_ =	shalt  }
0x83: {  	_ =	shalt  }
0x84: {  	_ =	shalt  }
0x85: {  	_ =	shalt  }
0x86: {  	_ =	shalt  }
0x87: {  	_ =	shalt  }
.Lfunc_end0:
.L_simem_size_0:
called_computation.1_lowered:
.L_overlay_start_0:
0x88: {  	s2 =	sld [smem:$0x3FD9]  }
0x89: {  	s3 =	sld [smem:$0x3FFE];
	_ =	sdelay $0x1  }
0x8a: {  	s1 =	srdreg.scid  }
0x8b: {  	s0 =	sand.u32 $0x1, s1  }
0x8c: {  	s17 =	sshll.u32 s0, $0xA;
	s2 =	sadd.s32 s3, s2  }
0x8d: {  	s2 =	sadd.s32 s2, s17  }
0x8e: {  	[smem:$0x3FC6] =	sst s2  }
0x8f: {  	_ = 	snop  }
0x90: {  	s2 =	sld [smem:$0x3FD0];
	(tm) =	ssettm $0x1  }
0x91: {  	s18 =	sld [smem:$0x3FFB];
	_ =	sdelay $0x3  }
0x92: {  	_ =	strace s18  }
0x93: {  	s3 =	sld [smem:$0x3FFC];
	_ =	sdelay $0x3  }
0x94: {  	_ =	strace s3  }
0x95: {  	s3 =	sld [smem:$0x3FFD];
	_ =	sdelay $0x3  }
0x96: {  	_ =	strace s3  }
0x97: {  	_ =	strace $0x8FFFFFFF  }
0x98: {  	s19 =	sld [smem:$0x3FDB];
	_ =	sdelay $0x1  }
0x99: {  	s4 =	simm.s32 $_scs_section_size  }
0x9a: {  	s5 =	simm.s32 $_size__tile_overlayer_lowered;
	s6 =	simm.s32 $_tile_overlayer_lowered  }
0x9b: {  	s22 =	simm.s32 $0x1BFF;
	s21 =	sshll.u32 s6, $0x1;
	s3 =	sadd.s32 s4, s19  }
0x9c: {  	s7 =	simm.s32 $0x0;
	s20 =	sshll.u32 s5, $0x1;
	s5 =	sadd.s32 s21, s3  }
0x9d: {  	[timem:s7], [sflag:s22] =	dma.local [hbm:s5], s20  }
0x9e: {  	_ =	swait.ge [sflag:s22], s20  }
0x9f: {  	s4 =	ssub.s32 $0x0, s20;
	[sflag:s22] =	ssyncset.done $0x0  }
0xa0: {  	[sflag:s22] =	ssyncadd.s32 s4;
	_ =	sdelay $0x1  }
0xa1: {  	s23 =	simm.s32 $0x1B8B  }
0xa2: {  	_ =	swait.ge [sflag:s23], $0x1  }
0xa3: {  	[sflag:s23] =	ssyncset.done $0x0  }
0xa4: {  	s25 =	simm.s32 $0x1B8E;
	s24 =	sld [smem:$0x3FFE];
	[sflag:s23] =	ssyncadd.s32 $0xFFFFFFFF  }
0xa5: {  	s26 =	simm.s32 $execute0_lowered;
	[smem:$0x3FD2] =	sst s25  }
0xa6: {  	s5 =	sshll.u32 s26, $0x1;
	_ =	strace $0x80000046;
	[dreg:$0x1] =	wrdreg $0xFFFFFFFF  }
0xa7: {  	s28 =	simm.s32 $_size_execute0_lowered;
	s3 =	sadd.s32 s3, s5;
	[dreg:$0x0] =	wrdreg $0x0  }
0xa8: {  	s5 =	sshll.u32 s28, $0x1;
	[dreg:$0x2] =	wrdreg s3  }
0xa9: {  	[dreg:$0x3] =	wrdreg s5  }
0xaa: {  	[dreg:$0x4] =	wrdreg $0xC0  }
0xab: {  	_ =	task [dreg:s7], $0x5FFFF  }
0xac: {  	[dreg:$0x1] =	wrdreg $0xFFFFFFFF  }
0xad: {  	[dreg:$0x0] =	wrdreg $0x60  }
0xae: {  	[dreg:$0x2] =	wrdreg s24  }
0xaf: {  	[dreg:$0x3] =	wrdreg s2  }
0xb0: {  	[dreg:$0x4] =	wrdreg $0x9  }
0xb1: {  	_ =	task.clear_ibuf [dreg:s7], $0x5FFFF;
	_ =	strace $0x90000046  }
0xb2: {  	s29 =	simm.s32 $0x9;
	_ =	strace $0x80000048  }
0xb3: {  	_ =	swait.ge [sflag:s29], $0x1  }
0xb4: {  	[sflag:s29] =	ssyncadd.s32 $0xFFFFFFFF  }
0xb5: {  	_ =	strace $0x90000048  }
0xb6: {  	_ =	sfence  }
0xb7: {  	s30 =	sld [smem:$0x0];
	_ =	sdelay $0x2  }
0xb8: {  	s31 =	sshll.u32 s1, $0xD;
	s1 =	sshrl.u32 s1, $0x2  }
0xb9: {  	s3 =	sand.u32 $0x4000, s31;
	s1 =	sadd.s32 s1, s30  }
0xba: {  	s0 =	sor.u32 s3, s0;
	s1 =	sshll.u32 s1, $0x11  }
0xbb: {  	s0 =	sor.u32 s1, s0  }
0xbc: {  	s0 =	sadd.s32 $0x8F2B, s0  }
0xbd: {  	[sflag:s0] =	ssyncadd.remote.s32 $0x1  }
0xbe: {  	_ =	sfence.sel $0xFFFF  }
0xbf: {  	[dreg:$0x0] =	wrdreg $0xFFFFFFFF;
	(pc) =	sbr.abs _section_cstart, $3  }
0xc0: {  	[dreg:$0x1] =	wrdreg $0xFFFFFFFF  }
0xc1: {  	_ =	task.clear_ibuf [dreg:s7], $0x2FFFF;
	_ =	strace $0x9FFFFFFF  }
0xc2: {  	(tm) =	ssettm $0x7FFFFFFF  }
0xc3: {  	_ =	shalt  }
tec
execute0_lowered:
.L_overlay_start_1:
0x0: {  	(tag) =	ssettag $0x1  }
0x1: {  	s0 =	rddreg [dreg:$0x0]  }
0x2: {  	s1 =	rddreg [dreg:$0x1]  }
0x3: {  	s2 =	srdreg.scid;
	s8 =	stileid.u32;
	s5 =	simm.s32 $0x0  }
0x4: {  	s9 =	simm.s32 $0x3;
	s10 =	simm.s32 $0x32;
	s11 =	simm.s32 $0x7000  }
0x5: {  	s13 =	simm.s32 $0x8900;
	s15 =	simm.s32 $0xA200;
	s17 =	simm.s32 $0xBB00  }
0x6: {  	s19 =	simm.s32 $0xD400;
	s21 =	simm.s32 $0xED00;
	s28 =	simm.s32 $0x13800  }
0x7: {  	s30 =	simm.s32 $0x15100;
	s12 =	simm.s32 $0x18300;
	s16 =	simm.s32 $0x19C00  }
0x8: {  	s20 =	simm.s32 $0x1B500;
	s29 =	simm.s32 $0x1E700;
	s31 =	simm.s32 $0x1  }
0x9: {  	s14 =	simm.s32 $0x1C00;
	s18 =	simm.s32 $0x2;
	s2 =	sand.u32 $0x1, s2  }
0xa: {  	s3 =	sshll.u32 s8, $0xA;
	s8 =	smul.u32 $0xE0000, s8;
	s4 =	sshll.u32 s2, $0x9  }
0xb: {  	s22 =	simm.s32 $0x0;
	s26 =	smul.u32 $0x70000, s2;
	s4 =	sor.u32 s4, s3  }
0xc: {  	[smem:$0x7FF] =	sst s5;
	s6 =	ssub.s32 $0x2, s2;
	s23 =	smul.u32 $0x1C00, s4  }
0xd: {  	_ =	strace $0x80000047;
	s7 =	sshrl.u32 s6, $0x1;
	s4 =	smul.u32 $0x7, s4  }
0xe: {  	s3 =	sadd.s32 $0xF42E00, s0;
	s0 =	sadd.s32 $0xA00, s0;
	s7 =	ssub.s32 s6, s7  }
0xf: {  	s7 =	smax.u32 s7, $0x1;
	s5 =	sshrl.u32 s23, $0x3;
	s1 =	sadd.s32 s1, s4  }
0x10: {  	s23 =	simm.s32 $0x10600;
	s24 =	sadd.s32 s0, s5;
	[dreg:$0x3] =	wrdreg s1  }
0x11: {  	s0 =	sadd.s32 s8, s0;
	s1 =	simm.s32 $0x1900;
	s25 =	sadd.s32 $0x6C800, s24  }
0x12: {  	s6 =	sadd.s32 $0x6E400, s24;
	s8 =	sadd.s32 s26, s0;
	s0 =	simm.s32 $0x16A00  }
0x13: {  	s24 =	simm.s32 $0x1CE00;
	[dreg:$0x4] =	wrdreg s25;
	s25 =	simm.s32 $0x11F00  }
.LBB2_1:
0x14: {  	s2 =	simm.s32 $0x0;
	s4 =	rddreg [dreg:$0x3]  }
0x15: {  	[tilespmem:s2], [sflag:$0x3] =	stream.linear.gather [hbm4b:s4+s2], $0x7000, $0x38;
	v63 =	vld [tilespmem:$0x0]  }
0x16: {  	_ =	swait.ge [sflag:s9], $0x7000  }
0x17: {  	[sflag:s9] =	ssyncset.done $0x0  }
0x18: {  	[sflag:s9] =	ssyncadd.s32 $0xFFFF9000  }
0x19: {  	[tilespmem:s11], [sflag:$0x1] =	stream.indirect.gather [hbm4b:s3+s10], $0x80, s2, s10, $0xb8;
	v63 =	vld [tilespmem:$0x0]  }
0x1a: {  	s26 =	simm.s32 $0x38  }
0x1b: {  	[tilespmem:s13], [sflag:$0x1] =	stream.indirect.gather [hbm4b:s3+s10], $0x80, s26, s10, $0xb8;
	v63 =	vld [tilespmem:$0x0]  }
0x1c: {  	s4 =	simm.s32 $0x70  }
0x1d: {  	[tilespmem:s15], [sflag:$0x1] =	stream.indirect.gather [hbm4b:s3+s10], $0x80, s4, s10, $0xb8;
	v63 =	vld [tilespmem:$0x0]  }
0x1e: {  	s5 =	simm.s32 $0xA8  }
0x1f: {  	[tilespmem:s17], [sflag:$0x1] =	stream.indirect.gather [hbm4b:s3+s10], $0x80, s5, s10, $0xb8;
	v63 =	vld [tilespmem:$0x0]  }
0x20: {  	s26 =	simm.s32 $0xE0  }
0x21: {  	[tilespmem:s19], [sflag:$0x1] =	stream.indirect.gather [hbm4b:s3+s10], $0x80, s26, s10, $0xb8;
	v63 =	vld [tilespmem:$0x0]  }
0x22: {  	s4 =	simm.s32 $0x118  }
0x23: {  	[tilespmem:s21], [sflag:$0x1] =	stream.indirect.gather [hbm4b:s3+s10], $0x80, s4, s10, $0xb8;
	v63 =	vld [tilespmem:$0x0]  }
0x24: {  	s5 =	simm.s32 $0x150  }
0x25: {  	[tilespmem:s23], [sflag:$0x1] =	stream.indirect.gather [hbm4b:s3+s10], $0x80, s5, s10, $0xb8;
	v63 =	vld [tilespmem:$0x0]  }
0x26: {  	s26 =	simm.s32 $0x188  }
0x27: {  	[tilespmem:s25], [sflag:$0x1] =	stream.indirect.gather [hbm4b:s3+s10], $0x80, s26, s10, $0xb8;
	v63 =	vld [tilespmem:$0x0]  }
0x28: {  	s4 =	simm.s32 $0x1C0  }
0x29: {  	[tilespmem:s28], [sflag:$0x1] =	stream.indirect.gather [hbm4b:s3+s10], $0x80, s4, s10, $0xb8;
	v63 =	vld [tilespmem:$0x0]  }
0x2a: {  	s5 =	simm.s32 $0x1F8  }
0x2b: {  	[tilespmem:s30], [sflag:$0x1] =	stream.indirect.gather [hbm4b:s3+s10], $0x80, s5, s10, $0xb8;
	v63 =	vld [tilespmem:$0x0]  }
0x2c: {  	s26 =	simm.s32 $0x230  }
0x2d: {  	[tilespmem:s0], [sflag:$0x1] =	stream.indirect.gather [hbm4b:s3+s10], $0x80, s26, s10, $0xb8;
	v63 =	vld [tilespmem:$0x0]  }
0x2e: {  	s4 =	simm.s32 $0x268  }
0x2f: {  	[tilespmem:s12], [sflag:$0x1] =	stream.indirect.gather [hbm4b:s3+s10], $0x80, s4, s10, $0xb8;
	v63 =	vld [tilespmem:$0x0]  }
0x30: {  	s5 =	simm.s32 $0x2A0  }
0x31: {  	[tilespmem:s16], [sflag:$0x1] =	stream.indirect.gather [hbm4b:s3+s10], $0x80, s5, s10, $0xb8;
	v63 =	vld [tilespmem:$0x0]  }
0x32: {  	s26 =	simm.s32 $0x2D8  }
0x33: {  	[tilespmem:s20], [sflag:$0x1] =	stream.indirect.gather [hbm4b:s3+s10], $0x80, s26, s10, $0xb8;
	v63 =	vld [tilespmem:$0x0]  }
0x34: {  	s4 =	simm.s32 $0x310  }
0x35: {  	[tilespmem:s24], [sflag:$0x1] =	stream.indirect.gather [hbm4b:s3+s10], $0x80, s4, s10, $0xb8;
	v63 =	vld [tilespmem:$0x0]  }
0x36: {  	s5 =	simm.s32 $0x348  }
0x37: {  	[tilespmem:s29], [sflag:$0x1] =	stream.indirect.gather [hbm4b:s3+s10], $0x80, s5, s10, $0xb8;
	v63 =	vld [tilespmem:$0x0]  }
0x38: {  	_ =	swait.ge [sflag:s31], $0x1900  }
0x39: {  	[sflag:s31] =	ssyncset.done $0x0  }
0x3a: {  	[sflag:s31] =	ssyncadd.s32 $0xFFFFE700  }
0x3b: {  	_ =	swait.ge [sflag:s31], $0x1900  }
0x3c: {  	[sflag:s31] =	ssyncset.done $0x0  }
0x3d: {  	[sflag:s31] =	ssyncadd.s32 $0xFFFFE700  }
0x3e: {  	_ =	swait.ge [sflag:s31], $0x1900  }
0x3f: {  	[sflag:s31] =	ssyncset.done $0x0  }
0x40: {  	[sflag:s31] =	ssyncadd.s32 $0xFFFFE700  }
0x41: {  	_ =	swait.ge [sflag:s31], $0x1900  }
0x42: {  	[sflag:s31] =	ssyncset.done $0x0  }
0x43: {  	[sflag:s31] =	ssyncadd.s32 $0xFFFFE700  }
0x44: {  	_ =	swait.ge [sflag:s31], $0x1900  }
0x45: {  	[sflag:s31] =	ssyncset.done $0x0  }
0x46: {  	[sflag:s31] =	ssyncadd.s32 $0xFFFFE700  }
0x47: {  	_ =	swait.ge [sflag:s31], $0x1900  }
0x48: {  	[sflag:s31] =	ssyncset.done $0x0  }
0x49: {  	[sflag:s31] =	ssyncadd.s32 $0xFFFFE700  }
0x4a: {  	_ =	swait.ge [sflag:s31], $0x1900  }
0x4b: {  	[sflag:s31] =	ssyncset.done $0x0  }
0x4c: {  	[sflag:s31] =	ssyncadd.s32 $0xFFFFE700  }
0x4d: {  	_ =	swait.ge [sflag:s31], $0x1900  }
0x4e: {  	[sflag:s31] =	ssyncset.done $0x0  }
0x4f: {  	[sflag:s31] =	ssyncadd.s32 $0xFFFFE700  }
0x50: {  	[hbm4b:s8+s1] =	stream.strided.scatter [tilespmem:s11], [sflag:$0x2], $0xC800, s14, s1, $0x38;
	v63 =	vld [tilespmem:$0x0]  }
0x51: {  	_ =	swait.ge [sflag:s31], $0x1900  }
0x52: {  	[sflag:s31] =	ssyncset.done $0x0  }
0x53: {  	[sflag:s31] =	ssyncadd.s32 $0xFFFFE700  }
0x54: {  	_ =	swait.ge [sflag:s31], $0x1900  }
0x55: {  	[sflag:s31] =	ssyncset.done $0x0  }
0x56: {  	[sflag:s31] =	ssyncadd.s32 $0xFFFFE700  }
0x57: {  	_ =	swait.ge [sflag:s31], $0x1900  }
0x58: {  	[sflag:s31] =	ssyncset.done $0x0  }
0x59: {  	[sflag:s31] =	ssyncadd.s32 $0xFFFFE700  }
0x5a: {  	_ =	swait.ge [sflag:s31], $0x1900  }
0x5b: {  	[sflag:s31] =	ssyncset.done $0x0  }
0x5c: {  	[sflag:s31] =	ssyncadd.s32 $0xFFFFE700  }
0x5d: {  	_ =	swait.ge [sflag:s31], $0x1900  }
0x5e: {  	[sflag:s31] =	ssyncset.done $0x0  }
0x5f: {  	[sflag:s31] =	ssyncadd.s32 $0xFFFFE700  }
0x60: {  	_ =	swait.ge [sflag:s31], $0x1900  }
0x61: {  	[sflag:s31] =	ssyncset.done $0x0  }
0x62: {  	[sflag:s31] =	ssyncadd.s32 $0xFFFFE700  }
0x63: {  	_ =	swait.ge [sflag:s31], $0x1900  }
0x64: {  	[sflag:s31] =	ssyncset.done $0x0  }
0x65: {  	[sflag:s31] =	ssyncadd.s32 $0xFFFFE700  }
0x66: {  	_ =	swait.ge [sflag:s31], $0x1900  }
0x67: {  	[sflag:s31] =	ssyncset.done $0x0  }
0x68: {  	s26 =	sadd.s32 $0x1C00, s8;
	[sflag:s31] =	ssyncadd.s32 $0xFFFFE700  }
0x69: {  	[hbm4b:s26+s1] =	stream.strided.scatter [tilespmem:s28], [sflag:$0x2], $0xC800, s14, s1, $0x38;
	v63 =	vld [tilespmem:$0x0]  }
0x6a: {  	_ =	swait.ge [sflag:s18], $0xC800  }
0x6b: {  	[sflag:s18] =	ssyncset.done $0x0  }
0x6c: {  	s4 =	simm.s32 $0x380;
	[sflag:s18] =	ssyncadd.s32 $0xFFFF3800  }
0x6d: {  	[tilespmem:s11], [sflag:$0x1] =	stream.indirect.gather [hbm4b:s3+s10], $0x80, s4, s10, $0xb8;
	v63 =	vld [tilespmem:$0x0]  }
0x6e: {  	s5 =	simm.s32 $0x3B8  }
0x6f: {  	[tilespmem:s13], [sflag:$0x1] =	stream.indirect.gather [hbm4b:s3+s10], $0x80, s5, s10, $0xb8;
	v63 =	vld [tilespmem:$0x0]  }
0x70: {  	s26 =	simm.s32 $0x3F0  }
0x71: {  	[tilespmem:s15], [sflag:$0x1] =	stream.indirect.gather [hbm4b:s3+s10], $0x80, s26, s10, $0xb8;
	v63 =	vld [tilespmem:$0x0]  }
0x72: {  	s4 =	simm.s32 $0x428  }
0x73: {  	[tilespmem:s17], [sflag:$0x1] =	stream.indirect.gather [hbm4b:s3+s10], $0x80, s4, s10, $0xb8;
	v63 =	vld [tilespmem:$0x0]  }
0x74: {  	s5 =	simm.s32 $0x460  }
0x75: {  	[tilespmem:s19], [sflag:$0x1] =	stream.indirect.gather [hbm4b:s3+s10], $0x80, s5, s10, $0xb8;
	v63 =	vld [tilespmem:$0x0]  }
0x76: {  	s26 =	simm.s32 $0x498  }
0x77: {  	[tilespmem:s21], [sflag:$0x1] =	stream.indirect.gather [hbm4b:s3+s10], $0x80, s26, s10, $0xb8;
	v63 =	vld [tilespmem:$0x0]  }
0x78: {  	s4 =	simm.s32 $0x4D0  }
0x79: {  	[tilespmem:s23], [sflag:$0x1] =	stream.indirect.gather [hbm4b:s3+s10], $0x80, s4, s10, $0xb8;
	v63 =	vld [tilespmem:$0x0]  }
0x7a: {  	s5 =	simm.s32 $0x508  }
0x7b: {  	[tilespmem:s25], [sflag:$0x1] =	stream.indirect.gather [hbm4b:s3+s10], $0x80, s5, s10, $0xb8;
	v63 =	vld [tilespmem:$0x0]  }
0x7c: {  	_ =	swait.ge [sflag:s18], $0xC800  }
0x7d: {  	[sflag:s18] =	ssyncset.done $0x0  }
0x7e: {  	s26 =	simm.s32 $0x540;
	[sflag:s18] =	ssyncadd.s32 $0xFFFF3800  }
0x7f: {  	[tilespmem:s28], [sflag:$0x1] =	stream.indirect.gather [hbm4b:s3+s10], $0x80, s26, s10, $0xb8;
	v63 =	vld [tilespmem:$0x0]  }
0x80: {  	s4 =	simm.s32 $0x578  }
0x81: {  	[tilespmem:s30], [sflag:$0x1] =	stream.indirect.gather [hbm4b:s3+s10], $0x80, s4, s10, $0xb8;
	v63 =	vld [tilespmem:$0x0]  }
0x82: {  	s5 =	simm.s32 $0x5B0  }
0x83: {  	[tilespmem:s0], [sflag:$0x1] =	stream.indirect.gather [hbm4b:s3+s10], $0x80, s5, s10, $0xb8;
	v63 =	vld [tilespmem:$0x0]  }
0x84: {  	s26 =	simm.s32 $0x5E8  }
0x85: {  	[tilespmem:s12], [sflag:$0x1] =	stream.indirect.gather [hbm4b:s3+s10], $0x80, s26, s10, $0xb8;
	v63 =	vld [tilespmem:$0x0]  }
0x86: {  	s4 =	simm.s32 $0x620  }
0x87: {  	[tilespmem:s16], [sflag:$0x1] =	stream.indirect.gather [hbm4b:s3+s10], $0x80, s4, s10, $0xb8;
	v63 =	vld [tilespmem:$0x0]  }
0x88: {  	s5 =	simm.s32 $0x658  }
0x89: {  	[tilespmem:s20], [sflag:$0x1] =	stream.indirect.gather [hbm4b:s3+s10], $0x80, s5, s10, $0xb8;
	v63 =	vld [tilespmem:$0x0]  }
0x8a: {  	s26 =	simm.s32 $0x690  }
0x8b: {  	[tilespmem:s24], [sflag:$0x1] =	stream.indirect.gather [hbm4b:s3+s10], $0x80, s26, s10, $0xb8;
	v63 =	vld [tilespmem:$0x0]  }
0x8c: {  	s2 =	sadd.s32 $0x3800, s8;
	s4 =	simm.s32 $0x6C8;
	s26 =	simm.s32 $0xE00  }
.LBB2_2:
0x8d: {  	[tilespmem:s29], [sflag:$0x1] =	stream.indirect.gather [hbm4b:s3+s10], $0x80, s4, s10, $0xb8;
	v63 =	vld [tilespmem:$0x0]  }
0x8e: {  	s4 =	smov.u32 s26  }
0x8f: {  	p0 =	sne.s32 s26, $0x1A400;
	s26 =	sadd.s32 $0xE00, s26;
	_ =	swait.ge [sflag:s31], $0x1900  }
0x90: {  	[sflag:s31] =	ssyncset.done $0x0  }
0x91: {  	[sflag:s31] =	ssyncadd.s32 $0xFFFFE700  }
0x92: {  	_ =	swait.ge [sflag:s31], $0x1900  }
0x93: {  	[sflag:s31] =	ssyncset.done $0x0  }
0x94: {  	[sflag:s31] =	ssyncadd.s32 $0xFFFFE700  }
0x95: {  	_ =	swait.ge [sflag:s31], $0x1900  }
0x96: {  	[sflag:s31] =	ssyncset.done $0x0  }
0x97: {  	[sflag:s31] =	ssyncadd.s32 $0xFFFFE700  }
0x98: {  	_ =	swait.ge [sflag:s31], $0x1900  }
0x99: {  	[sflag:s31] =	ssyncset.done $0x0  }
0x9a: {  	[sflag:s31] =	ssyncadd.s32 $0xFFFFE700  }
0x9b: {  	_ =	swait.ge [sflag:s31], $0x1900  }
0x9c: {  	[sflag:s31] =	ssyncset.done $0x0  }
0x9d: {  	[sflag:s31] =	ssyncadd.s32 $0xFFFFE700  }
0x9e: {  	_ =	swait.ge [sflag:s31], $0x1900  }
0x9f: {  	[sflag:s31] =	ssyncset.done $0x0  }
0xa0: {  	[sflag:s31] =	ssyncadd.s32 $0xFFFFE700  }
0xa1: {  	_ =	swait.ge [sflag:s31], $0x1900  }
0xa2: {  	[sflag:s31] =	ssyncset.done $0x0  }
0xa3: {  	[sflag:s31] =	ssyncadd.s32 $0xFFFFE700  }
0xa4: {  	_ =	swait.ge [sflag:s31], $0x1900  }
0xa5: {  	[sflag:s31] =	ssyncset.done $0x0  }
0xa6: {  	[sflag:s31] =	ssyncadd.s32 $0xFFFFE700  }
0xa7: {  	[hbm4b:s2+s1] =	stream.strided.scatter [tilespmem:s11], [sflag:$0x2], $0xC800, s14, s1, $0x38;
	v63 =	vld [tilespmem:$0x0]  }
0xa8: {  	_ =	swait.ge [sflag:s31], $0x1900  }
0xa9: {  	[sflag:s31] =	ssyncset.done $0x0  }
0xaa: {  	[sflag:s31] =	ssyncadd.s32 $0xFFFFE700  }
0xab: {  	_ =	swait.ge [sflag:s31], $0x1900  }
0xac: {  	[sflag:s31] =	ssyncset.done $0x0  }
0xad: {  	[sflag:s31] =	ssyncadd.s32 $0xFFFFE700  }
0xae: {  	_ =	swait.ge [sflag:s31], $0x1900  }
0xaf: {  	[sflag:s31] =	ssyncset.done $0x0  }
0xb0: {  	[sflag:s31] =	ssyncadd.s32 $0xFFFFE700  }
0xb1: {  	_ =	swait.ge [sflag:s31], $0x1900  }
0xb2: {  	[sflag:s31] =	ssyncset.done $0x0  }
0xb3: {  	[sflag:s31] =	ssyncadd.s32 $0xFFFFE700  }
0xb4: {  	_ =	swait.ge [sflag:s31], $0x1900  }
0xb5: {  	[sflag:s31] =	ssyncset.done $0x0  }
0xb6: {  	[sflag:s31] =	ssyncadd.s32 $0xFFFFE700  }
0xb7: {  	_ =	swait.ge [sflag:s31], $0x1900  }
0xb8: {  	[sflag:s31] =	ssyncset.done $0x0  }
0xb9: {  	[sflag:s31] =	ssyncadd.s32 $0xFFFFE700  }
0xba: {  	_ =	swait.ge [sflag:s31], $0x1900  }
0xbb: {  	[sflag:s31] =	ssyncset.done $0x0  }
0xbc: {  	[sflag:s31] =	ssyncadd.s32 $0xFFFFE700  }
0xbd: {  	_ =	swait.ge [sflag:s31], $0x1900  }
0xbe: {  	[sflag:s31] =	ssyncset.done $0x0  }
0xbf: {  	s5 =	sadd.s32 $0x1C00, s2;
	[sflag:s31] =	ssyncadd.s32 $0xFFFFE700  }
0xc0: {  	[hbm4b:s5+s1] =	stream.strided.scatter [tilespmem:s28], [sflag:$0x2], $0xC800, s14, s1, $0x38;
	v63 =	vld [tilespmem:$0x0]  }
0xc1: {  	_ =	swait.ge [sflag:s18], $0xC800  }
0xc2: {  	s4 =	sshra.s32 s4, $0x2;
	[sflag:s18] =	ssyncset.done $0x0  }
0xc3: {  	s5 =	sadd.s32 $0x380, s4;
	[sflag:s18] =	ssyncadd.s32 $0xFFFF3800  }
0xc4: {  	[tilespmem:s11], [sflag:$0x1] =	stream.indirect.gather [hbm4b:s3+s10], $0x80, s5, s10, $0xb8;
	v63 =	vld [tilespmem:$0x0]  }
0xc5: {  	s5 =	sadd.s32 $0x3B8, s4  }
0xc6: {  	[tilespmem:s13], [sflag:$0x1] =	stream.indirect.gather [hbm4b:s3+s10], $0x80, s5, s10, $0xb8;
	v63 =	vld [tilespmem:$0x0]  }
0xc7: {  	s5 =	sadd.s32 $0x3F0, s4  }
0xc8: {  	[tilespmem:s15], [sflag:$0x1] =	stream.indirect.gather [hbm4b:s3+s10], $0x80, s5, s10, $0xb8;
	v63 =	vld [tilespmem:$0x0]  }
0xc9: {  	s5 =	sadd.s32 $0x428, s4  }
0xca: {  	[tilespmem:s17], [sflag:$0x1] =	stream.indirect.gather [hbm4b:s3+s10], $0x80, s5, s10, $0xb8;
	v63 =	vld [tilespmem:$0x0]  }
0xcb: {  	s5 =	sadd.s32 $0x460, s4  }
0xcc: {  	[tilespmem:s19], [sflag:$0x1] =	stream.indirect.gather [hbm4b:s3+s10], $0x80, s5, s10, $0xb8;
	v63 =	vld [tilespmem:$0x0]  }
0xcd: {  	s5 =	sadd.s32 $0x498, s4  }
0xce: {  	[tilespmem:s21], [sflag:$0x1] =	stream.indirect.gather [hbm4b:s3+s10], $0x80, s5, s10, $0xb8;
	v63 =	vld [tilespmem:$0x0]  }
0xcf: {  	s5 =	sadd.s32 $0x4D0, s4  }
0xd0: {  	[tilespmem:s23], [sflag:$0x1] =	stream.indirect.gather [hbm4b:s3+s10], $0x80, s5, s10, $0xb8;
	v63 =	vld [tilespmem:$0x0]  }
0xd1: {  	s5 =	sadd.s32 $0x508, s4  }
0xd2: {  	[tilespmem:s25], [sflag:$0x1] =	stream.indirect.gather [hbm4b:s3+s10], $0x80, s5, s10, $0xb8;
	v63 =	vld [tilespmem:$0x0]  }
0xd3: {  	_ =	swait.ge [sflag:s18], $0xC800  }
0xd4: {  	[sflag:s18] =	ssyncset.done $0x0  }
0xd5: {  	s5 =	sadd.s32 $0x540, s4;
	[sflag:s18] =	ssyncadd.s32 $0xFFFF3800  }
0xd6: {  	[tilespmem:s28], [sflag:$0x1] =	stream.indirect.gather [hbm4b:s3+s10], $0x80, s5, s10, $0xb8;
	v63 =	vld [tilespmem:$0x0]  }
0xd7: {  	s5 =	sadd.s32 $0x578, s4  }
0xd8: {  	[tilespmem:s30], [sflag:$0x1] =	stream.indirect.gather [hbm4b:s3+s10], $0x80, s5, s10, $0xb8;
	v63 =	vld [tilespmem:$0x0]  }
0xd9: {  	s5 =	sadd.s32 $0x5B0, s4  }
0xda: {  	[tilespmem:s0], [sflag:$0x1] =	stream.indirect.gather [hbm4b:s3+s10], $0x80, s5, s10, $0xb8;
	v63 =	vld [tilespmem:$0x0]  }
0xdb: {  	s5 =	sadd.s32 $0x5E8, s4  }
0xdc: {  	[tilespmem:s12], [sflag:$0x1] =	stream.indirect.gather [hbm4b:s3+s10], $0x80, s5, s10, $0xb8;
	v63 =	vld [tilespmem:$0x0]  }
0xdd: {  	s5 =	sadd.s32 $0x620, s4  }
0xde: {  	[tilespmem:s16], [sflag:$0x1] =	stream.indirect.gather [hbm4b:s3+s10], $0x80, s5, s10, $0xb8;
	v63 =	vld [tilespmem:$0x0]  }
.Ltmp0:
0xdf: {  	s5 =	sadd.s32 $0x658, s4;
	(pc) =	sbr.rel @p0 .LBB2_2-.Ltmp0, $4  }
0xe0: {  	[tilespmem:s20], [sflag:$0x1] =	stream.indirect.gather [hbm4b:s3+s10], $0x80, s5, s10, $0xb8;
	v63 =	vld [tilespmem:$0x0]  }
0xe1: {  	s5 =	sadd.s32 $0x690, s4  }
0xe2: {  	[tilespmem:s24], [sflag:$0x1] =	stream.indirect.gather [hbm4b:s3+s10], $0x80, s5, s10, $0xb8;
	v63 =	vld [tilespmem:$0x0]  }
0xe3: {  	s2 =	sadd.s32 $0x3800, s2;
	s4 =	sadd.s32 $0x6C8, s4  }
0xe4: {  	[tilespmem:s29], [sflag:$0x1] =	stream.indirect.gather [hbm4b:s3+s10], $0x80, s4, s10, $0xb8;
	v63 =	vld [tilespmem:$0x0]  }
0xe5: {  	_ =	swait.ge [sflag:s31], $0x1900  }
0xe6: {  	[sflag:s31] =	ssyncset.done $0x0  }
0xe7: {  	[sflag:s31] =	ssyncadd.s32 $0xFFFFE700  }
0xe8: {  	_ =	swait.ge [sflag:s31], $0x1900  }
0xe9: {  	[sflag:s31] =	ssyncset.done $0x0  }
0xea: {  	[sflag:s31] =	ssyncadd.s32 $0xFFFFE700  }
0xeb: {  	_ =	swait.ge [sflag:s31], $0x1900  }
0xec: {  	[sflag:s31] =	ssyncset.done $0x0  }
0xed: {  	[sflag:s31] =	ssyncadd.s32 $0xFFFFE700  }
0xee: {  	_ =	swait.ge [sflag:s31], $0x1900  }
0xef: {  	[sflag:s31] =	ssyncset.done $0x0  }
0xf0: {  	[sflag:s31] =	ssyncadd.s32 $0xFFFFE700  }
0xf1: {  	_ =	swait.ge [sflag:s31], $0x1900  }
0xf2: {  	[sflag:s31] =	ssyncset.done $0x0  }
0xf3: {  	[sflag:s31] =	ssyncadd.s32 $0xFFFFE700  }
0xf4: {  	_ =	swait.ge [sflag:s31], $0x1900  }
0xf5: {  	[sflag:s31] =	ssyncset.done $0x0  }
0xf6: {  	[sflag:s31] =	ssyncadd.s32 $0xFFFFE700  }
0xf7: {  	_ =	swait.ge [sflag:s31], $0x1900  }
0xf8: {  	[sflag:s31] =	ssyncset.done $0x0  }
0xf9: {  	[sflag:s31] =	ssyncadd.s32 $0xFFFFE700  }
0xfa: {  	_ =	swait.ge [sflag:s31], $0x1900  }
0xfb: {  	[sflag:s31] =	ssyncset.done $0x0  }
0xfc: {  	s2 =	rddreg [dreg:$0x4];
	[sflag:s31] =	ssyncadd.s32 $0xFFFFE700  }
0xfd: {  	[hbm4b:s2+s1] =	stream.strided.scatter [tilespmem:s11], [sflag:$0x2], $0xC800, s14, s1, $0x38;
	v63 =	vld [tilespmem:$0x0]  }
0xfe: {  	_ =	swait.ge [sflag:s31], $0x1900  }
0xff: {  	[sflag:s31] =	ssyncset.done $0x0  }
0x100: {  	[sflag:s31] =	ssyncadd.s32 $0xFFFFE700  }
0x101: {  	_ =	swait.ge [sflag:s31], $0x1900  }
0x102: {  	[sflag:s31] =	ssyncset.done $0x0  }
0x103: {  	[sflag:s31] =	ssyncadd.s32 $0xFFFFE700  }
0x104: {  	_ =	swait.ge [sflag:s31], $0x1900  }
0x105: {  	[sflag:s31] =	ssyncset.done $0x0  }
0x106: {  	[sflag:s31] =	ssyncadd.s32 $0xFFFFE700  }
0x107: {  	_ =	swait.ge [sflag:s31], $0x1900  }
0x108: {  	[sflag:s31] =	ssyncset.done $0x0  }
0x109: {  	[sflag:s31] =	ssyncadd.s32 $0xFFFFE700  }
0x10a: {  	_ =	swait.ge [sflag:s31], $0x1900  }
0x10b: {  	[sflag:s31] =	ssyncset.done $0x0  }
0x10c: {  	[sflag:s31] =	ssyncadd.s32 $0xFFFFE700  }
0x10d: {  	_ =	swait.ge [sflag:s31], $0x1900  }
0x10e: {  	[sflag:s31] =	ssyncset.done $0x0  }
0x10f: {  	[sflag:s31] =	ssyncadd.s32 $0xFFFFE700  }
0x110: {  	_ =	swait.ge [sflag:s31], $0x1900  }
0x111: {  	[sflag:s31] =	ssyncset.done $0x0  }
0x112: {  	[sflag:s31] =	ssyncadd.s32 $0xFFFFE700  }
0x113: {  	_ =	swait.ge [sflag:s31], $0x1900  }
0x114: {  	[sflag:s31] =	ssyncset.done $0x0  }
0x115: {  	s22 =	sadd.s32 $0x1, s22;
	[sflag:s31] =	ssyncadd.s32 $0xFFFFE700  }
0x116: {  	[hbm4b:s6+s1] =	stream.strided.scatter [tilespmem:s28], [sflag:$0x2], $0xC800, s14, s1, $0x38;
	v63 =	vld [tilespmem:$0x0]  }
0x117: {  	p0 =	sne.s32 s22, s7;
	_ =	swait.ge [sflag:s18], $0xC800  }
.Ltmp1:
0x118: {  	[sflag:s18] =	ssyncset.done $0x0;
	(pc) =	sbr.rel @p0 .LBB2_1-.Ltmp1, $4  }
0x119: {  	[sflag:s18] =	ssyncadd.s32 $0xFFFF3800  }
0x11a: {  	_ =	swait.ge [sflag:s18], $0xC800  }
0x11b: {  	[sflag:s18] =	ssyncset.done $0x0  }
0x11c: {  	[sflag:s18] =	ssyncadd.s32 $0xFFFF3800  }
0x11d: {  	_ =	sfence.sel $0x180000  }
0x11e: {  	[bflag:$0x0] =	sbarrier.arrive $0xFFFF  }
0x11f: {  	_ =	strace $0x90000047  }
0x120: {  	s0 =	stileid.u32;
	[bflag:$0x2] =	sbarrier.arrive $0xFFFF  }
0x121: {  	p0 =	sne.s32 s0, $0x0;
	s0 =	rddreg [dreg:$0x2]  }
0x122: {  	s0 =	sadd.s32 @!p0 $0x100000, s0  }
0x123: {  	[sflag:s0] =	ssyncadd.tile.s32 @!p0 $0x1;
	_ =	shalt  }
.Lfunc_end2:
_tile_overlayer_lowered:
.L_overlay_start_2:
0x124: {  	(tag) =	ssettag $0x2  }
0x125: {  	s0 =	rddreg [dreg:$0x0];
	s2 =	stileid.u32  }
0x126: {  	s1 =	rddreg [dreg:$0x1];
	p0 =	sne.s32 s2, $0x0  }
0x127: {  	s3 =	rddreg [dreg:$0x2];
	[bflag:$0x3] =	sbarrier.arrive $0xFFFF;
	s2 =	simm.s32 @!p0 $0x1C03  }
0x128: {  	[timem:s3], [sflag:s2] =	dma.local @!p0 [hbm:s0], s1  }
0x129: {  	s0 =	simm.s32 @!p0 $0x3  }
0x12a: {  	_ =	swait.ge @!p0 [sflag:s0], s1  }
0x12b: {  	s1 =	ssub.s32 @!p0 $0x0, s1;
	[sflag:s0] =	ssyncset.done @!p0 $0x0  }
0x12c: {  	[sflag:s0] =	ssyncadd.s32 @!p0 s1  }
0x12d: {  	[bflag:$0x3] =	sbarrier.arrive $0xFFFF  }
0x12e: {  	_ =	shalt  }

// kernel: sparse-core-data-format-call.cloned.1.call-start
scs
called_computation_lowered:
.L_overlay_start_0:
0x0: {  	s2 =	sld [smem:$0x3FD9]  }
0x1: {  	s3 =	sld [smem:$0x3FFE];
	_ =	sdelay $0x1  }
0x2: {  	s1 =	srdreg.scid  }
0x3: {  	s0 =	sand.u32 $0x1, s1  }
0x4: {  	s18 =	sshll.u32 s0, $0xA;
	s2 =	sadd.s32 s3, s2  }
0x5: {  	s2 =	sadd.s32 s2, s18  }
0x6: {  	[smem:$0x3FC6] =	sst s2  }
0x7: {  	_ = 	snop  }
0x8: {  	s2 =	sld [smem:$0x3FD0];
	(tm) =	ssettm $0x1  }
0x9: {  	s19 =	sld [smem:$0x3FFB];
	_ =	sdelay $0x3  }
0xa: {  	_ =	strace s19  }
0xb: {  	s3 =	sld [smem:$0x3FFC];
	_ =	sdelay $0x3  }
0xc: {  	_ =	strace s3  }
0xd: {  	s3 =	sld [smem:$0x3FFD];
	_ =	sdelay $0x3  }
0xe: {  	_ =	strace s3  }
0xf: {  	_ =	strace $0x8FFFFFFF  }
0x10: {  	s20 =	sld [smem:$0x3FDB];
	_ =	sdelay $0x1  }
0x11: {  	s4 =	simm.s32 $_scs_section_size  }
0x12: {  	s5 =	simm.s32 $_size__tile_overlayer_lowered;
	s6 =	simm.s32 $_tile_overlayer_lowered  }
0x13: {  	s23 =	simm.s32 $0x1BFF;
	s22 =	sshll.u32 s6, $0x1;
	s3 =	sadd.s32 s4, s20  }
0x14: {  	s7 =	simm.s32 $0x0;
	s21 =	sshll.u32 s5, $0x1;
	s5 =	sadd.s32 s22, s3  }
0x15: {  	[timem:s7], [sflag:s23] =	dma.local [hbm:s5], s21  }
0x16: {  	_ =	swait.ge [sflag:s23], s21  }
0x17: {  	s4 =	ssub.s32 $0x0, s21;
	[sflag:s23] =	ssyncset.done $0x0  }
0x18: {  	[sflag:s23] =	ssyncadd.s32 s4;
	_ =	sdelay $0x1  }
0x19: {  	s24 =	simm.s32 $0x1B8B  }
0x1a: {  	_ =	swait.ge [sflag:s24], $0x1  }
0x1b: {  	[sflag:s24] =	ssyncset.done $0x0  }
0x1c: {  	s26 =	simm.s32 $0x1B8E;
	s25 =	sld [smem:$0x3FFE];
	[sflag:s24] =	ssyncadd.s32 $0xFFFFFFFF  }
0x1d: {  	s27 =	simm.s32 $execute0_lowered;
	[smem:$0x3FD2] =	sst s26  }
0x1e: {  	s5 =	sshll.u32 s27, $0x1;
	_ =	strace $0x80000049;
	[dreg:$0x1] =	wrdreg $0xFFFFFFFF  }
0x1f: {  	s28 =	simm.s32 $_size_execute0_lowered;
	s3 =	sadd.s32 s3, s5;
	[dreg:$0x0] =	wrdreg $0x0  }
0x20: {  	s5 =	sshll.u32 s28, $0x1;
	[dreg:$0x2] =	wrdreg s3  }
0x21: {  	[dreg:$0x3] =	wrdreg s5  }
0x22: {  	[dreg:$0x4] =	wrdreg $0xC0  }
0x23: {  	_ =	task [dreg:s7], $0x5FFFF  }
0x24: {  	[dreg:$0x1] =	wrdreg $0xFFFFFFFF  }
0x25: {  	[dreg:$0x0] =	wrdreg $0x60  }
0x26: {  	[dreg:$0x2] =	wrdreg s25  }
0x27: {  	[dreg:$0x3] =	wrdreg s2  }
0x28: {  	[dreg:$0x4] =	wrdreg $0x9  }
0x29: {  	_ =	task.clear_ibuf [dreg:s7], $0x5FFFF;
	_ =	strace $0x90000049  }
0x2a: {  	s29 =	simm.s32 $0x9;
	_ =	strace $0x8000004B  }
0x2b: {  	_ =	swait.ge [sflag:s29], $0x1  }
0x2c: {  	[sflag:s29] =	ssyncadd.s32 $0xFFFFFFFF  }
0x2d: {  	_ =	strace $0x9000004B  }
0x2e: {  	_ =	sfence  }
0x2f: {  	s30 =	sld [smem:$0x0];
	_ =	sdelay $0x2  }
0x30: {  	s31 =	sshll.u32 s1, $0xD;
	s1 =	sshrl.u32 s1, $0x2  }
0x31: {  	s3 =	sand.u32 $0x4000, s31;
	s1 =	sadd.s32 s1, s30  }
0x32: {  	s0 =	sor.u32 s3, s0;
	s1 =	sshll.u32 s1, $0x11  }
0x33: {  	s0 =	sor.u32 s1, s0  }
0x34: {  	s0 =	sadd.s32 $0x8F2B, s0  }
0x35: {  	[sflag:s0] =	ssyncadd.remote.s32 $0x1  }
0x36: {  	_ =	sfence.sel $0xFFFF  }
0x37: {  	[dreg:$0x0] =	wrdreg $0xFFFFFFFF;
	(pc) =	sbr.abs _section_cstart, $3  }
0x38: {  	[dreg:$0x1] =	wrdreg $0xFFFFFFFF  }
0x39: {  	_ =	task.clear_ibuf [dreg:s7], $0x2FFFF;
	_ =	strace $0x9FFFFFFF  }
0x3a: {  	(tm) =	ssettm $0x7FFFFFFF  }
0x3b: {  	_ =	shalt  }
tec
execute0_lowered:
.L_overlay_start_1:
0x0: {  	(tag) =	ssettag $0x1  }
0x1: {  	s0 =	srdreg.scid  }
0x2: {  	s1 =	sshll.u32 s0, $0x4  }
0x3: {  	s0 =	stileid.u32;
	s1 =	sand.u32 $0x10, s1  }
0x4: {  	s1 =	sor.u32 s0, s1  }
0x5: {  	s6 =	rddreg [dreg:$0x0];
	s4 =	simm.s32 $0x1;
	s2 =	sshll.u32 s1, $0x7  }
0x6: {  	s7 =	simm.s32 $0x2;
	s12 =	simm.s32 $0x0;
	s1 =	ssub.s32 $0x4000, s2  }
0x7: {  	s8 =	simm.s32 $0x20000;
	s13 =	simm.s32 $0x0;
	s3 =	sand.u32 $0xF80, s1  }
0x8: {  	s9 =	simm.s32 $0x0;
	s5 =	sshrl.u32 s1, $0xC;
	p0 =	sne.s32 s3, $0x0  }
.Ltmp0:
0x9: {  	s1 =	rddreg [dreg:$0x2];
	s4 =	simm.s32 @!p0 $0x0;
	(pc) =	sbr.rel .LBB1_1-.Ltmp0, $4  }
0xa: {  	s11 =	simm.s32 $0x0;
	s3 =	rddreg [dreg:$0x1];
	s5 =	sadd.s32 s4, s5  }
0xb: {  	_ =	strace $0x8000004A;
	s4 =	simm.s32 $0x1;
	s5 =	smul.u32 $0x32, s5  }
0xc: {  	s6 =	sadd.s32 $0xA00, s6;
	s10 =	smov.u32 s2;
	[sflag:s4] =	ssyncpa.u1 $0x0  }
0xd: {  	p0 =	por $0x0, $0x0;
	[sflag:s7] =	ssyncpa.u1 $0x0;
	s7 =	sor.u32 $0x1, s5  }
.LBB1_4:
0xe: {  	s16 =	sshll.u32 s13, $0x3;
	s17 =	sand.u32 $0x78, s13  }
0xf: {  	s30 =	sand.u32 $0x1F800, s13;
	s12 =	sshll.u32 s12, $0x11;
	s16 =	sand.u32 $0x3C00, s16  }
0x10: {  	[tilespmem:s15+$0x810 ss:$0x81] =	vst.msk $0xffff, v2;
	s31 =	sand.u32 $0x7, s13;
	s16 =	sor.u32 s17, s16;
	s17 =	sadd.s32 s3, s30  }
0x11: {  	[tilespmem:s15+$0x1020 ss:$0x81] =	vst.msk $0xffff, v0;
	s13 =	sshll.u32 s31, $0x12;
	s12 =	sadd.s32 s12, s17;
	s16 =	sshrl.u32 s16, $0x3  }
0x12: {  	[tilespmem:s15+$0x0 ss:$0x81] =	vst.msk $0xffff, v1;
	s13 =	sor.u32 $0x400, s13;
	s12 =	sadd.s32 s16, s12  }
0x13: {  	[hbm4b:s12+s13] =	stream.strided.scatter [tilespmem:s14], [sflag:$0x2], $0x2000, s8, s13, $0x20;
	[tilespmem:$0x8080] =	vst v63  }
.LBB1_5:
0x14: {  	s14 =	sadd.s32 $0x1, s9  }
0x15: {  	s12 =	sadd.s32 $0x1000, s10;
	s16 =	smov.u32 s10;
	p2 =	sgt.s32 s14, $0x31  }
0x16: {  	s16 =	smov.u32 @p2 s12  }
0x17: {  	s14 =	simm.s32 @p2 $0x0;
	p2 =	sgt.s32 s16, $0x3FFF  }
0x18: {  	s16 =	smov.u32 @p2 s2;
	p2 =	sne.s32 s11, s7  }
.Ltmp1:
0x19: {  	p1 =	slt.u32 s11, $0x2;
	(pc) =	sbr.rel @!p2 .LBB1_6-.Ltmp1, $4  }
0x1a: {  	s15 =	simm.s32 @!p1 $0x2  }
0x1b: {  	s13 =	smov.u32 s10;
	p0 =	por !p0, !p0;
	_ =	swait.ge @!p1 [sflag:s15], $0x2000  }
0x1c: {  	s12 =	smov.u32 s9;
	[sflag:s15] =	ssyncset.done @!p1 $0x0;
	s9 =	smov.u32 s14  }
0x1d: {  	s11 =	sadd.s32 $0x1, s11;
	[sflag:s15] =	ssyncadd.s32 @!p1 $0xFFFFE000;
	s10 =	smov.u32 s16  }
.LBB1_1:
0x1e: {  	p1 =	sge.u32 s11, s5  }
0x1f: {  	s14 =	sand.u32 @!p1 $0x1FFFFFF, s9  }
0x20: {  	s15 =	smulhi.u32 @!p1 $0x4924925, s14;
	_ =	sdelay $0x1  }
0x21: {  	s15 =	smul.u32 @!p1 $0x38, s15  }
0x22: {  	s16 =	sxor.u32 @!p1 $0xFFFFFFFF, s11;
	s17 =	smul.u32 @!p1 $0x380, s10  }
0x23: {  	s31 =	sadd.s32 $0xFFFFFFFF, s11;
	s16 =	sshll.u32 @!p1 s16, $0xD;
	s14 =	ssub.s32 @!p1 s14, s15  }
0x24: {  	s15 =	sand.u32 @!p1 $0x2000, s16;
	s16 =	sadd.s32 @!p1 s6, s17;
	s14 =	sshll.u32 @!p1 s14, $0x4  }
0x25: {  	s17 =	simm.s32 @!p1 $0x1C00;
	s14 =	sadd.s32 @!p1 s14, s16;
	s16 =	simm.s32 @!p1 $0x40  }
0x26: {  	[tilespmem:s15], [sflag:$0x1] =	stream.strided.gather @!p1 [hbm4b:s14+s16], $0x2000, s17, s16, $0x38;
	[tilespmem:$0x8080] =	vst v63  }
0x27: {  	p1 =	sge.u32 s31, s5  }
.Ltmp2:
0x28: {  	_ = 	snop;
	(pc) =	sbr.rel @p1 .LBB1_5-.Ltmp2, $1  }
0x29: {  	_ =	sdelay $0x3  }
0x2a: {  	s14 =	simm.s32 $0x1  }
0x2b: {  	_ =	swait.ge [sflag:s4], $0x2000;
	s14 =	simm.s32 @!p0 $0x0  }
0x2c: {  	[sflag:s4] =	ssyncset.done $0x0;
	s15 =	sshll.u32 s14, $0xD  }
0x2d: {  	[sflag:s4] =	ssyncadd.s32 $0xFFFFE000;
	s18 =	sor.u32 $0x20, s15  }
0x2e: {  	s14 =	smul.u32 $0x8100, s14;
	v3 =	vld [tilespmem:s18+$0x10]  }
0x2f: {  	s30 =	sand.u32 $0x1, s11;
	v2 =	vld [tilespmem:s18+$0xFFFFFFF0]  }
0x30: {  	s15 =	smul.u32 $0x8100, s30;
	s14 =	sshrl.u32 s14, $0x2;
	v0 =	vld [tilespmem:s18+$0x0]  }
0x31: {  	v1 =	vld [tilespmem:s18+$0xFFFFFFE0];
	s16 =	sor.u32 $0x4000, s14  }
0x32: {  	s31 =	sshrl.u32 s15, $0x2;
	s15 =	sadd.s32 $0x0, s16  }
0x33: {  	s17 =	simm.s32 $0x4;
	s18 =	sadd.s32 $0x40, s18;
	s14 =	sor.u32 $0x4000, s31;
	[tilespmem:s15+$0x1830 ss:$0x81] =	vst.msk $0xffff, v3  }
.LBB1_3:
0x34: {  	v3 =	vld [tilespmem:s18+$0x10];
	p1 =	sne.s32 s17, $0x1FC;
	[tilespmem:s15+$0x810 ss:$0x81] =	vst.msk $0xffff, v2;
	s19 =	smov.u32 s17;
	s17 =	sadd.s32 $0x4, s17  }
.Ltmp3:
0x35: {  	v2 =	vld [tilespmem:s18+$0xFFFFFFF0];
	[tilespmem:s15+$0x1020 ss:$0x81] =	vst.msk $0xffff, v0;
	(pc) =	sbr.rel @p1 .LBB1_3-.Ltmp3, $4  }
0x36: {  	v0 =	vld [tilespmem:s18+$0x0];
	[tilespmem:s15+$0x0 ss:$0x81] =	vst.msk $0xffff, v1  }
0x37: {  	s15 =	sshra.s32 s19, $0x2;
	v1 =	vld [tilespmem:s18+$0xFFFFFFE0]  }
0x38: {  	s15 =	sadd.s32 s15, s16  }
0x39: {  	s18 =	sadd.s32 $0x40, s18;
	[tilespmem:s15+$0x1830 ss:$0x81] =	vst.msk $0xffff, v3  }
.Ltmp4:
0x3a: {  	_ = 	snop;
	(pc) =	sbr.rel .LBB1_4-.Ltmp4, $1  }
0x3b: {  	_ =	sdelay $0x3  }
.LBB1_6:
0x3c: {  	_ =	sfence.sel $0x180000  }
0x3d: {  	s2 =	simm.s32 $0x1;
	[bflag:$0x0] =	sbarrier.arrive $0xFFFF  }
0x3e: {  	s31 =	simm.s32 $0x2;
	[sflag:s2] =	ssyncpa.u1 $0x1  }
0x3f: {  	[sflag:s31] =	ssyncpa.u1 $0x1  }
0x40: {  	p0 =	sne.s32 s0, $0x0;
	_ =	strace $0x9000004A  }
0x41: {  	s0 =	sadd.s32 @!p0 $0x100000, s1;
	[bflag:$0x2] =	sbarrier.arrive $0xFFFF  }
0x42: {  	[sflag:s0] =	ssyncadd.tile.s32 @!p0 $0x1;
	_ =	shalt  }
.Lfunc_end1:
_tile_overlayer_lowered:
.L_overlay_start_2:
0x43: {  	(tag) =	ssettag $0x2  }
0x44: {  	s0 =	rddreg [dreg:$0x0];
	s2 =	stileid.u32  }
0x45: {  	s1 =	rddreg [dreg:$0x1];
	p0 =	sne.s32 s2, $0x0  }
0x46: {  	s3 =	rddreg [dreg:$0x2];
	[bflag:$0x3] =	sbarrier.arrive $0xFFFF;
	s2 =	simm.s32 @!p0 $0x1C01  }
0x47: {  	[timem:s3], [sflag:s2] =	dma.local @!p0 [hbm:s0], s1  }
0x48: {  	s0 =	simm.s32 @!p0 $0x1  }
0x49: {  	_ =	swait.ge @!p0 [sflag:s0], s1  }
0x4a: {  	s1 =	ssub.s32 @!p0 $0x0, s1;
	[sflag:s0] =	ssyncset.done @!p0 $0x0  }
0x4b: {  	[sflag:s0] =	ssyncadd.s32 @!p0 s1  }
0x4c: {  	[bflag:$0x3] =	sbarrier.arrive $0xFFFF  }
0x4d: {  	_ =	shalt  }

</sc_bundles>
